<compile_context>
chip_gen: v7x
topology: tpu7x:2x2x1
jax: 0.10.2.dev20260603
libtpu: 0.0.44.dev20260713+nightly
codegen_flags: <defaults>
</compile_context>

<pallas_src>
import functools

import jax
import jax.numpy as jnp
from jax import lax
from jax.experimental import pallas as pl
from jax.experimental.pallas import tpu as pltpu
from jax.experimental.pallas import tpu_sc as plsc

NUM_CORES = 2
NUM_SUBCORES = 16
NW = NUM_CORES * NUM_SUBCORES
GB = 8


def kernel(indices, table):
    B, L = indices.shape
    V, D = table.shape
    per_w = B // NW
    G = per_w // GB
    assert B % NW == 0 and per_w % GB == 0 and G % 2 == 0

    idx3 = indices.reshape(NW, per_w, L)

    @functools.partial(
        pl.kernel,
        mesh=plsc.VectorSubcoreMesh(core_axis_name="c", subcore_axis_name="s"),
        out_type=jax.ShapeDtypeStruct((B, L, D), jnp.float32),
        scratch_types=[
            pltpu.VMEM((per_w, L), jnp.int32),
            pltpu.VMEM((GB, L, D), jnp.float32),
            pltpu.VMEM((GB, L, D), jnp.float32),
            pltpu.SemaphoreType.DMA,
            pltpu.SemaphoreType.DMA,
            pltpu.SemaphoreType.DMA,
            pltpu.SemaphoreType.DMA,
        ],
        compiler_params=pltpu.CompilerParams(use_tc_tiling_on_sc=False),
    )
    def gather_kernel(idx_hbm, table_hbm, out_hbm, idx_v, buf_a, buf_b,
                      gsem_a, gsem_b, osem_a, osem_b):
        wid = lax.axis_index("s") * NUM_CORES + lax.axis_index("c")
        pltpu.sync_copy(idx_hbm.at[wid], idx_v)
        out_base = wid * per_w

        bufs = (buf_a, buf_b)
        gsems = (gsem_a, gsem_b)
        osems = (osem_a, osem_b)

        def fire_gathers(g, s):
            for b in range(GB):
                pltpu.async_copy(
                    table_hbm.at[idx_v.at[g * GB + b]],
                    bufs[s].at[b],
                    gsems[s],
                )

        def wait_gathers(g, s):
            for b in range(GB):
                pltpu.make_async_copy(
                    table_hbm.at[idx_v.at[g * GB + b]],
                    bufs[s].at[b],
                    gsems[s],
                ).wait()

        def out_slice(g):
            return out_hbm.at[pl.ds(out_base + g * GB, GB)]

        def fire_out(g, s):
            pltpu.async_copy(bufs[s], out_slice(g), osems[s])

        def wait_out(g, s):
            pltpu.make_async_copy(bufs[s], out_slice(g), osems[s]).wait()

        fire_gathers(0, 0)

        def pair_body(p, carry):
            for s in (0, 1):
                g = 2 * p + s
                s_next = 1 - s

                @pl.when(g >= 1)
                def _():
                    wait_out(g - 1, s_next)

                @pl.when(g < G - 1)
                def _():
                    fire_gathers(g + 1, s_next)

                wait_gathers(g, s)
                fire_out(g, s)
            return carry

        lax.fori_loop(0, G // 2, pair_body, 0)
        wait_out(G - 1, (G - 1) % 2)

    return gather_kernel(idx3, table)

# --- scband reference (transcript-rebuilt; emitter-appended) ---
"""Pipeline reference for scband-base-model-36550171689421 (READ-ONLY COPY).

The authoritative reference and input builder live on the scoring server;
editing this copy changes nothing except your own understanding.
"""

import jax, jax.numpy as jnp
import numpy as np

VOCAB = 1000000
EMBED_DIM = 64
BATCH = 16384
HIST_LEN = 50


def setup_inputs(seed: int = 0) -> dict:
    key = jax.random.key(seed)
    k1, k2 = jax.random.split(key)
    indices = jax.random.randint(k1, (BATCH, HIST_LEN), 0, VOCAB, dtype=jnp.int64 if jax.config.jax_enable_x64 else jnp.int32).astype(jnp.int32)
    table = jax.random.normal(k2, (VOCAB, EMBED_DIM), dtype=jnp.float32) * 0.02
    # padding_idx=0: zero out row 0 like nn.Embedding(padding_idx=0)
    table = table.at[0].set(0.0)
    return {"indices": indices, "table": table}


def reference(indices, table):
    # BaseModel forward path (inference): x = embedding(indices); x = dropout(x)
    # Dropout is identity in eval mode, so the output is the gathered rows.
    out = jnp.take(table, indices, axis=0)  # [B, L, D]
    return out

if __name__ == "__main__":
    import jax
    _d = setup_inputs()
    print(jax.jit(kernel)(*tuple(_d.values())))

</pallas_src>

<mosaic_0001>
#map = affine_map<(d0, d1) -> (0, 0, 0)>
#map1 = affine_map<(d0, d1) -> (0, 0)>
module attributes {stable_mosaic.version = 14 : i64} {
  func.func @gather_kernel(%arg0: i32, %arg1: i32, %arg2: memref<32x512x50xi32, #tpu.memory_space<hbm>>, %arg3: memref<1000000x64xf32, #tpu.memory_space<hbm>>, %arg4: memref<16384x50x64xf32, #tpu.memory_space<hbm>>, %arg5: memref<512x50xi32, #tpu.memory_space<vmem>>, %arg6: memref<8x50x64xf32, #tpu.memory_space<vmem>>, %arg7: memref<8x50x64xf32, #tpu.memory_space<vmem>>, %arg8: memref<!tpu.dma_semaphore, #tpu.memory_space<semaphore_mem>>, %arg9: memref<!tpu.dma_semaphore, #tpu.memory_space<semaphore_mem>>, %arg10: memref<!tpu.dma_semaphore, #tpu.memory_space<semaphore_mem>>, %arg11: memref<!tpu.dma_semaphore, #tpu.memory_space<semaphore_mem>>) attributes {dimension_semantics = [#tpu.dimension_semantics<core_parallel>, #tpu.dimension_semantics<subcore_parallel>], iteration_bounds = array<i64: 2, 16>, scalar_prefetch = 0 : i64, scratch_operands = 7 : i64, tpu.core_type = #tpu.core_type<sc_vector_subcore>, window_params = [{transform_indices = #map}, {transform_indices = #map1}, {transform_indices = #map}]} {
    %mul3A = arith.constant 2 : i32
    %mul3A_0 = arith.muli %arg1, %mul3A : i32
    %add3A = arith.addi %mul3A_0, %arg0 : i32
    "tpu.region"() ({
      %run_scoped3A = tpu.sem_alloc : memref<!tpu.dma_semaphore, #tpu.memory_space<semaphore_mem>>
      %dma_start3A_110 = arith.constant 0 : i32
      %dma_start3A_111 = arith.constant 0 : i32
      %dma_start3A_112 = tpu.memref_slice %arg2[%add3A, %dma_start3A_110, %dma_start3A_111] : memref<32x512x50xi32, #tpu.memory_space<hbm>> -> memref<1x512x50xi32, #tpu.memory_space<hbm>>
      %dma_start3A_113 = tpu.memref_squeeze %dma_start3A_112 : memref<1x512x50xi32, #tpu.memory_space<hbm>> -> memref<512x50xi32, #tpu.memory_space<hbm>>
      %dma_start3A_114 = arith.constant 0 : i32
      %dma_start3A_115 = arith.constant 0 : i32
      %dma_start3A_116 = tpu.memref_slice %arg2[%add3A, %dma_start3A_114, %dma_start3A_115] : memref<32x512x50xi32, #tpu.memory_space<hbm>> -> memref<1x512x50xi32, #tpu.memory_space<hbm>>
      %dma_start3A_117 = tpu.memref_squeeze %dma_start3A_116 : memref<1x512x50xi32, #tpu.memory_space<hbm>> -> memref<512x50xi32, #tpu.memory_space<hbm>>
      tpu.enqueue_dma source(%dma_start3A_117 : memref<512x50xi32, #tpu.memory_space<hbm>>) target(%arg5 : memref<512x50xi32, #tpu.memory_space<vmem>>) target_semaphore(%run_scoped3A : memref<!tpu.dma_semaphore, #tpu.memory_space<semaphore_mem>>)
      %dma_wait3A_118 = arith.constant 0 : i32
      %dma_wait3A_119 = arith.constant 0 : i32
      %dma_wait3A_120 = tpu.memref_slice %arg2[%add3A, %dma_wait3A_118, %dma_wait3A_119] : memref<32x512x50xi32, #tpu.memory_space<hbm>> -> memref<1x512x50xi32, #tpu.memory_space<hbm>>
      %dma_wait3A_121 = tpu.memref_squeeze %dma_wait3A_120 : memref<1x512x50xi32, #tpu.memory_space<hbm>> -> memref<512x50xi32, #tpu.memory_space<hbm>>
      %dma_wait3A_122 = arith.constant 0 : i32
      %dma_wait3A_123 = arith.constant 0 : i32
      %dma_wait3A_124 = tpu.memref_slice %arg2[%add3A, %dma_wait3A_122, %dma_wait3A_123] : memref<32x512x50xi32, #tpu.memory_space<hbm>> -> memref<1x512x50xi32, #tpu.memory_space<hbm>>
      %dma_wait3A_125 = tpu.memref_squeeze %dma_wait3A_124 : memref<1x512x50xi32, #tpu.memory_space<hbm>> -> memref<512x50xi32, #tpu.memory_space<hbm>>
      tpu.wait_dma2 semaphore(%run_scoped3A : memref<!tpu.dma_semaphore, #tpu.memory_space<semaphore_mem>>) src(%dma_wait3A_125 : memref<512x50xi32, #tpu.memory_space<hbm>>) dst(%arg5 : memref<512x50xi32, #tpu.memory_space<vmem>>)
      tpu.yield
    }) : () -> ()
    %mul3A_1 = arith.constant 512 : i32
    %mul3A_2 = arith.muli %add3A, %mul3A_1 : i32
    %dma_start3A = arith.constant 0 : i32
    %dma_start3A_3 = arith.constant 0 : i32
    %dma_start3A_4 = arith.constant 0 : i32
    %dma_start3A_5 = arith.constant 0 : i32
    %dma_start3A_6 = tpu.memref_slice %arg6[%dma_start3A_3, %dma_start3A_4, %dma_start3A_5] : memref<8x50x64xf32, #tpu.memory_space<vmem>> -> memref<1x50x64xf32, #tpu.memory_space<vmem>>
    %dma_start3A_7 = tpu.memref_squeeze %dma_start3A_6 : memref<1x50x64xf32, #tpu.memory_space<vmem>> -> memref<50x64xf32, #tpu.memory_space<vmem>>
    %dma_start3A_8 = arith.constant 0 : i32
    %dma_start3A_9 = tpu.memref_slice %arg5[%dma_start3A, %dma_start3A_8] : memref<512x50xi32, #tpu.memory_space<vmem>> -> memref<1x50xi32, #tpu.memory_space<vmem>>
    %dma_start3A_10 = tpu.memref_squeeze %dma_start3A_9 : memref<1x50xi32, #tpu.memory_space<vmem>> -> memref<50xi32, #tpu.memory_space<vmem>>
    %dma_start3A_11 = arith.constant 0 : i32
    %dma_start3A_12 = arith.constant 0 : i32
    %dma_start3A_13 = tpu.memref_slice %arg3[%dma_start3A_11, %dma_start3A_12] : memref<1000000x64xf32, #tpu.memory_space<hbm>> -> memref<1000000x64xf32, #tpu.memory_space<hbm>>
    tpu.enqueue_indirect_dma source(%dma_start3A_13 : memref<1000000x64xf32, #tpu.memory_space<hbm>>) target(%dma_start3A_7 : memref<50x64xf32, #tpu.memory_space<vmem>>) offsets(%dma_start3A_10 : memref<50xi32, #tpu.memory_space<vmem>>) semaphore(%arg8 : memref<!tpu.dma_semaphore, #tpu.memory_space<semaphore_mem>>)
    %dma_start3A_14 = arith.constant 1 : i32
    %dma_start3A_15 = arith.constant 1 : i32
    %dma_start3A_16 = arith.constant 0 : i32
    %dma_start3A_17 = arith.constant 0 : i32
    %dma_start3A_18 = tpu.memref_slice %arg6[%dma_start3A_15, %dma_start3A_16, %dma_start3A_17] : memref<8x50x64xf32, #tpu.memory_space<vmem>> -> memref<1x50x64xf32, #tpu.memory_space<vmem>>
    %dma_start3A_19 = tpu.memref_squeeze %dma_start3A_18 : memref<1x50x64xf32, #tpu.memory_space<vmem>> -> memref<50x64xf32, #tpu.memory_space<vmem>>
    %dma_start3A_20 = arith.constant 0 : i32
    %dma_start3A_21 = tpu.memref_slice %arg5[%dma_start3A_14, %dma_start3A_20] : memref<512x50xi32, #tpu.memory_space<vmem>> -> memref<1x50xi32, #tpu.memory_space<vmem>>
    %dma_start3A_22 = tpu.memref_squeeze %dma_start3A_21 : memref<1x50xi32, #tpu.memory_space<vmem>> -> memref<50xi32, #tpu.memory_space<vmem>>
    %dma_start3A_23 = arith.constant 0 : i32
    %dma_start3A_24 = arith.constant 0 : i32
    %dma_start3A_25 = tpu.memref_slice %arg3[%dma_start3A_23, %dma_start3A_24] : memref<1000000x64xf32, #tpu.memory_space<hbm>> -> memref<1000000x64xf32, #tpu.memory_space<hbm>>
    tpu.enqueue_indirect_dma source(%dma_start3A_25 : memref<1000000x64xf32, #tpu.memory_space<hbm>>) target(%dma_start3A_19 : memref<50x64xf32, #tpu.memory_space<vmem>>) offsets(%dma_start3A_22 : memref<50xi32, #tpu.memory_space<vmem>>) semaphore(%arg8 : memref<!tpu.dma_semaphore, #tpu.memory_space<semaphore_mem>>)
    %dma_start3A_26 = arith.constant 2 : i32
    %dma_start3A_27 = arith.constant 2 : i32
    %dma_start3A_28 = arith.constant 0 : i32
    %dma_start3A_29 = arith.constant 0 : i32
    %dma_start3A_30 = tpu.memref_slice %arg6[%dma_start3A_27, %dma_start3A_28, %dma_start3A_29] : memref<8x50x64xf32, #tpu.memory_space<vmem>> -> memref<1x50x64xf32, #tpu.memory_space<vmem>>
    %dma_start3A_31 = tpu.memref_squeeze %dma_start3A_30 : memref<1x50x64xf32, #tpu.memory_space<vmem>> -> memref<50x64xf32, #tpu.memory_space<vmem>>
    %dma_start3A_32 = arith.constant 0 : i32
    %dma_start3A_33 = tpu.memref_slice %arg5[%dma_start3A_26, %dma_start3A_32] : memref<512x50xi32, #tpu.memory_space<vmem>> -> memref<1x50xi32, #tpu.memory_space<vmem>>
    %dma_start3A_34 = tpu.memref_squeeze %dma_start3A_33 : memref<1x50xi32, #tpu.memory_space<vmem>> -> memref<50xi32, #tpu.memory_space<vmem>>
    %dma_start3A_35 = arith.constant 0 : i32
    %dma_start3A_36 = arith.constant 0 : i32
    %dma_start3A_37 = tpu.memref_slice %arg3[%dma_start3A_35, %dma_start3A_36] : memref<1000000x64xf32, #tpu.memory_space<hbm>> -> memref<1000000x64xf32, #tpu.memory_space<hbm>>
    tpu.enqueue_indirect_dma source(%dma_start3A_37 : memref<1000000x64xf32, #tpu.memory_space<hbm>>) target(%dma_start3A_31 : memref<50x64xf32, #tpu.memory_space<vmem>>) offsets(%dma_start3A_34 : memref<50xi32, #tpu.memory_space<vmem>>) semaphore(%arg8 : memref<!tpu.dma_semaphore, #tpu.memory_space<semaphore_mem>>)
    %dma_start3A_38 = arith.constant 3 : i32
    %dma_start3A_39 = arith.constant 3 : i32
    %dma_start3A_40 = arith.constant 0 : i32
    %dma_start3A_41 = arith.constant 0 : i32
    %dma_start3A_42 = tpu.memref_slice %arg6[%dma_start3A_39, %dma_start3A_40, %dma_start3A_41] : memref<8x50x64xf32, #tpu.memory_space<vmem>> -> memref<1x50x64xf32, #tpu.memory_space<vmem>>
    %dma_start3A_43 = tpu.memref_squeeze %dma_start3A_42 : memref<1x50x64xf32, #tpu.memory_space<vmem>> -> memref<50x64xf32, #tpu.memory_space<vmem>>
    %dma_start3A_44 = arith.constant 0 : i32
    %dma_start3A_45 = tpu.memref_slice %arg5[%dma_start3A_38, %dma_start3A_44] : memref<512x50xi32, #tpu.memory_space<vmem>> -> memref<1x50xi32, #tpu.memory_space<vmem>>
    %dma_start3A_46 = tpu.memref_squeeze %dma_start3A_45 : memref<1x50xi32, #tpu.memory_space<vmem>> -> memref<50xi32, #tpu.memory_space<vmem>>
    %dma_start3A_47 = arith.constant 0 : i32
    %dma_start3A_48 = arith.constant 0 : i32
    %dma_start3A_49 = tpu.memref_slice %arg3[%dma_start3A_47, %dma_start3A_48] : memref<1000000x64xf32, #tpu.memory_space<hbm>> -> memref<1000000x64xf32, #tpu.memory_space<hbm>>
    tpu.enqueue_indirect_dma source(%dma_start3A_49 : memref<1000000x64xf32, #tpu.memory_space<hbm>>) target(%dma_start3A_43 : memref<50x64xf32, #tpu.memory_space<vmem>>) offsets(%dma_start3A_46 : memref<50xi32, #tpu.memory_space<vmem>>) semaphore(%arg8 : memref<!tpu.dma_semaphore, #tpu.memory_space<semaphore_mem>>)
    %dma_start3A_50 = arith.constant 4 : i32
    %dma_start3A_51 = arith.constant 4 : i32
    %dma_start3A_52 = arith.constant 0 : i32
    %dma_start3A_53 = arith.constant 0 : i32
    %dma_start3A_54 = tpu.memref_slice %arg6[%dma_start3A_51, %dma_start3A_52, %dma_start3A_53] : memref<8x50x64xf32, #tpu.memory_space<vmem>> -> memref<1x50x64xf32, #tpu.memory_space<vmem>>
    %dma_start3A_55 = tpu.memref_squeeze %dma_start3A_54 : memref<1x50x64xf32, #tpu.memory_space<vmem>> -> memref<50x64xf32, #tpu.memory_space<vmem>>
    %dma_start3A_56 = arith.constant 0 : i32
    %dma_start3A_57 = tpu.memref_slice %arg5[%dma_start3A_50, %dma_start3A_56] : memref<512x50xi32, #tpu.memory_space<vmem>> -> memref<1x50xi32, #tpu.memory_space<vmem>>
    %dma_start3A_58 = tpu.memref_squeeze %dma_start3A_57 : memref<1x50xi32, #tpu.memory_space<vmem>> -> memref<50xi32, #tpu.memory_space<vmem>>
    %dma_start3A_59 = arith.constant 0 : i32
    %dma_start3A_60 = arith.constant 0 : i32
    %dma_start3A_61 = tpu.memref_slice %arg3[%dma_start3A_59, %dma_start3A_60] : memref<1000000x64xf32, #tpu.memory_space<hbm>> -> memref<1000000x64xf32, #tpu.memory_space<hbm>>
    tpu.enqueue_indirect_dma source(%dma_start3A_61 : memref<1000000x64xf32, #tpu.memory_space<hbm>>) target(%dma_start3A_55 : memref<50x64xf32, #tpu.memory_space<vmem>>) offsets(%dma_start3A_58 : memref<50xi32, #tpu.memory_space<vmem>>) semaphore(%arg8 : memref<!tpu.dma_semaphore, #tpu.memory_space<semaphore_mem>>)
    %dma_start3A_62 = arith.constant 5 : i32
    %dma_start3A_63 = arith.constant 5 : i32
    %dma_start3A_64 = arith.constant 0 : i32
    %dma_start3A_65 = arith.constant 0 : i32
    %dma_start3A_66 = tpu.memref_slice %arg6[%dma_start3A_63, %dma_start3A_64, %dma_start3A_65] : memref<8x50x64xf32, #tpu.memory_space<vmem>> -> memref<1x50x64xf32, #tpu.memory_space<vmem>>
    %dma_start3A_67 = tpu.memref_squeeze %dma_start3A_66 : memref<1x50x64xf32, #tpu.memory_space<vmem>> -> memref<50x64xf32, #tpu.memory_space<vmem>>
    %dma_start3A_68 = arith.constant 0 : i32
    %dma_start3A_69 = tpu.memref_slice %arg5[%dma_start3A_62, %dma_start3A_68] : memref<512x50xi32, #tpu.memory_space<vmem>> -> memref<1x50xi32, #tpu.memory_space<vmem>>
    %dma_start3A_70 = tpu.memref_squeeze %dma_start3A_69 : memref<1x50xi32, #tpu.memory_space<vmem>> -> memref<50xi32, #tpu.memory_space<vmem>>
    %dma_start3A_71 = arith.constant 0 : i32
    %dma_start3A_72 = arith.constant 0 : i32
    %dma_start3A_73 = tpu.memref_slice %arg3[%dma_start3A_71, %dma_start3A_72] : memref<1000000x64xf32, #tpu.memory_space<hbm>> -> memref<1000000x64xf32, #tpu.memory_space<hbm>>
    tpu.enqueue_indirect_dma source(%dma_start3A_73 : memref<1000000x64xf32, #tpu.memory_space<hbm>>) target(%dma_start3A_67 : memref<50x64xf32, #tpu.memory_space<vmem>>) offsets(%dma_start3A_70 : memref<50xi32, #tpu.memory_space<vmem>>) semaphore(%arg8 : memref<!tpu.dma_semaphore, #tpu.memory_space<semaphore_mem>>)
    %dma_start3A_74 = arith.constant 6 : i32
    %dma_start3A_75 = arith.constant 6 : i32
    %dma_start3A_76 = arith.constant 0 : i32
    %dma_start3A_77 = arith.constant 0 : i32
    %dma_start3A_78 = tpu.memref_slice %arg6[%dma_start3A_75, %dma_start3A_76, %dma_start3A_77] : memref<8x50x64xf32, #tpu.memory_space<vmem>> -> memref<1x50x64xf32, #tpu.memory_space<vmem>>
    %dma_start3A_79 = tpu.memref_squeeze %dma_start3A_78 : memref<1x50x64xf32, #tpu.memory_space<vmem>> -> memref<50x64xf32, #tpu.memory_space<vmem>>
    %dma_start3A_80 = arith.constant 0 : i32
    %dma_start3A_81 = tpu.memref_slice %arg5[%dma_start3A_74, %dma_start3A_80] : memref<512x50xi32, #tpu.memory_space<vmem>> -> memref<1x50xi32, #tpu.memory_space<vmem>>
    %dma_start3A_82 = tpu.memref_squeeze %dma_start3A_81 : memref<1x50xi32, #tpu.memory_space<vmem>> -> memref<50xi32, #tpu.memory_space<vmem>>
    %dma_start3A_83 = arith.constant 0 : i32
    %dma_start3A_84 = arith.constant 0 : i32
    %dma_start3A_85 = tpu.memref_slice %arg3[%dma_start3A_83, %dma_start3A_84] : memref<1000000x64xf32, #tpu.memory_space<hbm>> -> memref<1000000x64xf32, #tpu.memory_space<hbm>>
    tpu.enqueue_indirect_dma source(%dma_start3A_85 : memref<1000000x64xf32, #tpu.memory_space<hbm>>) target(%dma_start3A_79 : memref<50x64xf32, #tpu.memory_space<vmem>>) offsets(%dma_start3A_82 : memref<50xi32, #tpu.memory_space<vmem>>) semaphore(%arg8 : memref<!tpu.dma_semaphore, #tpu.memory_space<semaphore_mem>>)
    %dma_start3A_86 = arith.constant 7 : i32
    %dma_start3A_87 = arith.constant 7 : i32
    %dma_start3A_88 = arith.constant 0 : i32
    %dma_start3A_89 = arith.constant 0 : i32
    %dma_start3A_90 = tpu.memref_slice %arg6[%dma_start3A_87, %dma_start3A_88, %dma_start3A_89] : memref<8x50x64xf32, #tpu.memory_space<vmem>> -> memref<1x50x64xf32, #tpu.memory_space<vmem>>
    %dma_start3A_91 = tpu.memref_squeeze %dma_start3A_90 : memref<1x50x64xf32, #tpu.memory_space<vmem>> -> memref<50x64xf32, #tpu.memory_space<vmem>>
    %dma_start3A_92 = arith.constant 0 : i32
    %dma_start3A_93 = tpu.memref_slice %arg5[%dma_start3A_86, %dma_start3A_92] : memref<512x50xi32, #tpu.memory_space<vmem>> -> memref<1x50xi32, #tpu.memory_space<vmem>>
    %dma_start3A_94 = tpu.memref_squeeze %dma_start3A_93 : memref<1x50xi32, #tpu.memory_space<vmem>> -> memref<50xi32, #tpu.memory_space<vmem>>
    %dma_start3A_95 = arith.constant 0 : i32
    %dma_start3A_96 = arith.constant 0 : i32
    %dma_start3A_97 = tpu.memref_slice %arg3[%dma_start3A_95, %dma_start3A_96] : memref<1000000x64xf32, #tpu.memory_space<hbm>> -> memref<1000000x64xf32, #tpu.memory_space<hbm>>
    tpu.enqueue_indirect_dma source(%dma_start3A_97 : memref<1000000x64xf32, #tpu.memory_space<hbm>>) target(%dma_start3A_91 : memref<50x64xf32, #tpu.memory_space<vmem>>) offsets(%dma_start3A_94 : memref<50xi32, #tpu.memory_space<vmem>>) semaphore(%arg8 : memref<!tpu.dma_semaphore, #tpu.memory_space<semaphore_mem>>)
    %scan3A = arith.constant 0 : i32
    %scan3A_98 = arith.constant 0 : i32
    %scan3A_99 = arith.constant 32 : i32
    %scan3A_100 = arith.addi %scan3A_98, %scan3A_99 : i32
    %scan3A_101 = arith.constant 1 : i32
    scf.for %scan3A_110 = %scan3A_98 to %scan3A_100 step %scan3A_101  : i32 {
      %mul3A_111 = arith.constant 2 : i32
      %mul3A_112 = arith.muli %mul3A_111, %scan3A_110 : i32
      %add3A_113 = arith.constant 0 : i32
      %add3A_114 = arith.addi %mul3A_112, %add3A_113 : i32
      %ge3A = arith.constant 1 : i32
      %ge3A_115 = arith.cmpi sge, %add3A_114, %ge3A : i32
      %convert_element_type3A = arith.extui %ge3A_115 : i1 to i32
      %cond3A = arith.constant 0 : i32
      %cond3A_116 = arith.cmpi ne, %convert_element_type3A, %cond3A : i32
      scf.if %cond3A_116 {
        %sub3A = arith.constant 1 : i32
        %sub3A_393 = arith.subi %add3A_114, %sub3A : i32
        %mul3A_394 = arith.constant 8 : i32
        %mul3A_395 = arith.muli %sub3A_393, %mul3A_394 : i32
        %add3A_396 = arith.addi %mul3A_2, %mul3A_395 : i32
        %dma_wait3A_397 = arith.constant 0 : i32
        %dma_wait3A_398 = arith.constant 0 : i32
        %dma_wait3A_399 = tpu.memref_slice %arg4[%add3A_396, %dma_wait3A_397, %dma_wait3A_398] : memref<16384x50x64xf32, #tpu.memory_space<hbm>> -> memref<8x50x64xf32, #tpu.memory_space<hbm>>
        %dma_wait3A_400 = arith.constant 0 : i32
        %dma_wait3A_401 = arith.constant 0 : i32
        %dma_wait3A_402 = tpu.memref_slice %arg4[%add3A_396, %dma_wait3A_400, %dma_wait3A_401] : memref<16384x50x64xf32, #tpu.memory_space<hbm>> -> memref<8x50x64xf32, #tpu.memory_space<hbm>>
        tpu.wait_dma2 semaphore(%arg11 : memref<!tpu.dma_semaphore, #tpu.memory_space<semaphore_mem>>) src(%arg7 : memref<8x50x64xf32, #tpu.memory_space<vmem>>) dst(%dma_wait3A_402 : memref<8x50x64xf32, #tpu.memory_space<hbm>>)
      } else {
      }
      %lt3A = arith.constant 63 : i32
      %lt3A_117 = arith.cmpi slt, %add3A_114, %lt3A : i32
      %convert_element_type3A_118 = arith.extui %lt3A_117 : i1 to i32
      %cond3A_119 = arith.constant 0 : i32
      %cond3A_120 = arith.cmpi ne, %convert_element_type3A_118, %cond3A_119 : i32
      scf.if %cond3A_120 {
        %add3A_393 = arith.constant 1 : i32
        %add3A_394 = arith.addi %add3A_114, %add3A_393 : i32
        %mul3A_395 = arith.constant 8 : i32
        %mul3A_396 = arith.muli %add3A_394, %mul3A_395 : i32
        %add3A_397 = arith.constant 0 : i32
        %add3A_398 = arith.addi %mul3A_396, %add3A_397 : i32
        %dma_start3A_399 = arith.constant 0 : i32
        %dma_start3A_400 = arith.constant 0 : i32
        %dma_start3A_401 = arith.constant 0 : i32
        %dma_start3A_402 = tpu.memref_slice %arg7[%dma_start3A_399, %dma_start3A_400, %dma_start3A_401] : memref<8x50x64xf32, #tpu.memory_space<vmem>> -> memref<1x50x64xf32, #tpu.memory_space<vmem>>
        %dma_start3A_403 = tpu.memref_squeeze %dma_start3A_402 : memref<1x50x64xf32, #tpu.memory_space<vmem>> -> memref<50x64xf32, #tpu.memory_space<vmem>>
        %dma_start3A_404 = arith.constant 0 : i32
        %dma_start3A_405 = tpu.memref_slice %arg5[%add3A_398, %dma_start3A_404] : memref<512x50xi32, #tpu.memory_space<vmem>> -> memref<1x50xi32, #tpu.memory_space<vmem>>
        %dma_start3A_406 = tpu.memref_squeeze %dma_start3A_405 : memref<1x50xi32, #tpu.memory_space<vmem>> -> memref<50xi32, #tpu.memory_space<vmem>>
        %dma_start3A_407 = arith.constant 0 : i32
        %dma_start3A_408 = arith.constant 0 : i32
        %dma_start3A_409 = tpu.memref_slice %arg3[%dma_start3A_407, %dma_start3A_408] : memref<1000000x64xf32, #tpu.memory_space<hbm>> -> memref<1000000x64xf32, #tpu.memory_space<hbm>>
        tpu.enqueue_indirect_dma source(%dma_start3A_409 : memref<1000000x64xf32, #tpu.memory_space<hbm>>) target(%dma_start3A_403 : memref<50x64xf32, #tpu.memory_space<vmem>>) offsets(%dma_start3A_406 : memref<50xi32, #tpu.memory_space<vmem>>) semaphore(%arg9 : memref<!tpu.dma_semaphore, #tpu.memory_space<semaphore_mem>>)
        %mul3A_410 = arith.constant 8 : i32
        %mul3A_411 = arith.muli %add3A_394, %mul3A_410 : i32
        %add3A_412 = arith.constant 1 : i32
        %add3A_413 = arith.addi %mul3A_411, %add3A_412 : i32
        %dma_start3A_414 = arith.constant 1 : i32
        %dma_start3A_415 = arith.constant 0 : i32
        %dma_start3A_416 = arith.constant 0 : i32
        %dma_start3A_417 = tpu.memref_slice %arg7[%dma_start3A_414, %dma_start3A_415, %dma_start3A_416] : memref<8x50x64xf32, #tpu.memory_space<vmem>> -> memref<1x50x64xf32, #tpu.memory_space<vmem>>
        %dma_start3A_418 = tpu.memref_squeeze %dma_start3A_417 : memref<1x50x64xf32, #tpu.memory_space<vmem>> -> memref<50x64xf32, #tpu.memory_space<vmem>>
        %dma_start3A_419 = arith.constant 0 : i32
        %dma_start3A_420 = tpu.memref_slice %arg5[%add3A_413, %dma_start3A_419] : memref<512x50xi32, #tpu.memory_space<vmem>> -> memref<1x50xi32, #tpu.memory_space<vmem>>
        %dma_start3A_421 = tpu.memref_squeeze %dma_start3A_420 : memref<1x50xi32, #tpu.memory_space<vmem>> -> memref<50xi32, #tpu.memory_space<vmem>>
        %dma_start3A_422 = arith.constant 0 : i32
        %dma_start3A_423 = arith.constant 0 : i32
        %dma_start3A_424 = tpu.memref_slice %arg3[%dma_start3A_422, %dma_start3A_423] : memref<1000000x64xf32, #tpu.memory_space<hbm>> -> memref<1000000x64xf32, #tpu.memory_space<hbm>>
        tpu.enqueue_indirect_dma source(%dma_start3A_424 : memref<1000000x64xf32, #tpu.memory_space<hbm>>) target(%dma_start3A_418 : memref<50x64xf32, #tpu.memory_space<vmem>>) offsets(%dma_start3A_421 : memref<50xi32, #tpu.memory_space<vmem>>) semaphore(%arg9 : memref<!tpu.dma_semaphore, #tpu.memory_space<semaphore_mem>>)
        %mul3A_425 = arith.constant 8 : i32
        %mul3A_426 = arith.muli %add3A_394, %mul3A_425 : i32
        %add3A_427 = arith.constant 2 : i32
        %add3A_428 = arith.addi %mul3A_426, %add3A_427 : i32
        %dma_start3A_429 = arith.constant 2 : i32
        %dma_start3A_430 = arith.constant 0 : i32
        %dma_start3A_431 = arith.constant 0 : i32
        %dma_start3A_432 = tpu.memref_slice %arg7[%dma_start3A_429, %dma_start3A_430, %dma_start3A_431] : memref<8x50x64xf32, #tpu.memory_space<vmem>> -> memref<1x50x64xf32, #tpu.memory_space<vmem>>
        %dma_start3A_433 = tpu.memref_squeeze %dma_start3A_432 : memref<1x50x64xf32, #tpu.memory_space<vmem>> -> memref<50x64xf32, #tpu.memory_space<vmem>>
        %dma_start3A_434 = arith.constant 0 : i32
        %dma_start3A_435 = tpu.memref_slice %arg5[%add3A_428, %dma_start3A_434] : memref<512x50xi32, #tpu.memory_space<vmem>> -> memref<1x50xi32, #tpu.memory_space<vmem>>
        %dma_start3A_436 = tpu.memref_squeeze %dma_start3A_435 : memref<1x50xi32, #tpu.memory_space<vmem>> -> memref<50xi32, #tpu.memory_space<vmem>>
        %dma_start3A_437 = arith.constant 0 : i32
        %dma_start3A_438 = arith.constant 0 : i32
        %dma_start3A_439 = tpu.memref_slice %arg3[%dma_start3A_437, %dma_start3A_438] : memref<1000000x64xf32, #tpu.memory_space<hbm>> -> memref<1000000x64xf32, #tpu.memory_space<hbm>>
        tpu.enqueue_indirect_dma source(%dma_start3A_439 : memref<1000000x64xf32, #tpu.memory_space<hbm>>) target(%dma_start3A_433 : memref<50x64xf32, #tpu.memory_space<vmem>>) offsets(%dma_start3A_436 : memref<50xi32, #tpu.memory_space<vmem>>) semaphore(%arg9 : memref<!tpu.dma_semaphore, #tpu.memory_space<semaphore_mem>>)
        %mul3A_440 = arith.constant 8 : i32
        %mul3A_441 = arith.muli %add3A_394, %mul3A_440 : i32
        %add3A_442 = arith.constant 3 : i32
        %add3A_443 = arith.addi %mul3A_441, %add3A_442 : i32
        %dma_start3A_444 = arith.constant 3 : i32
        %dma_start3A_445 = arith.constant 0 : i32
        %dma_start3A_446 = arith.constant 0 : i32
        %dma_start3A_447 = tpu.memref_slice %arg7[%dma_start3A_444, %dma_start3A_445, %dma_start3A_446] : memref<8x50x64xf32, #tpu.memory_space<vmem>> -> memref<1x50x64xf32, #tpu.memory_space<vmem>>
        %dma_start3A_448 = tpu.memref_squeeze %dma_start3A_447 : memref<1x50x64xf32, #tpu.memory_space<vmem>> -> memref<50x64xf32, #tpu.memory_space<vmem>>
        %dma_start3A_449 = arith.constant 0 : i32
        %dma_start3A_450 = tpu.memref_slice %arg5[%add3A_443, %dma_start3A_449] : memref<512x50xi32, #tpu.memory_space<vmem>> -> memref<1x50xi32, #tpu.memory_space<vmem>>
        %dma_start3A_451 = tpu.memref_squeeze %dma_start3A_450 : memref<1x50xi32, #tpu.memory_space<vmem>> -> memref<50xi32, #tpu.memory_space<vmem>>
        %dma_start3A_452 = arith.constant 0 : i32
        %dma_start3A_453 = arith.constant 0 : i32
        %dma_start3A_454 = tpu.memref_slice %arg3[%dma_start3A_452, %dma_start3A_453] : memref<1000000x64xf32, #tpu.memory_space<hbm>> -> memref<1000000x64xf32, #tpu.memory_space<hbm>>
        tpu.enqueue_indirect_dma source(%dma_start3A_454 : memref<1000000x64xf32, #tpu.memory_space<hbm>>) target(%dma_start3A_448 : memref<50x64xf32, #tpu.memory_space<vmem>>) offsets(%dma_start3A_451 : memref<50xi32, #tpu.memory_space<vmem>>) semaphore(%arg9 : memref<!tpu.dma_semaphore, #tpu.memory_space<semaphore_mem>>)
        %mul3A_455 = arith.constant 8 : i32
        %mul3A_456 = arith.muli %add3A_394, %mul3A_455 : i32
        %add3A_457 = arith.constant 4 : i32
        %add3A_458 = arith.addi %mul3A_456, %add3A_457 : i32
        %dma_start3A_459 = arith.constant 4 : i32
        %dma_start3A_460 = arith.constant 0 : i32
        %dma_start3A_461 = arith.constant 0 : i32
        %dma_start3A_462 = tpu.memref_slice %arg7[%dma_start3A_459, %dma_start3A_460, %dma_start3A_461] : memref<8x50x64xf32, #tpu.memory_space<vmem>> -> memref<1x50x64xf32, #tpu.memory_space<vmem>>
        %dma_start3A_463 = tpu.memref_squeeze %dma_start3A_462 : memref<1x50x64xf32, #tpu.memory_space<vmem>> -> memref<50x64xf32, #tpu.memory_space<vmem>>
        %dma_start3A_464 = arith.constant 0 : i32
        %dma_start3A_465 = tpu.memref_slice %arg5[%add3A_458, %dma_start3A_464] : memref<512x50xi32, #tpu.memory_space<vmem>> -> memref<1x50xi32, #tpu.memory_space<vmem>>
        %dma_start3A_466 = tpu.memref_squeeze %dma_start3A_465 : memref<1x50xi32, #tpu.memory_space<vmem>> -> memref<50xi32, #tpu.memory_space<vmem>>
        %dma_start3A_467 = arith.constant 0 : i32
        %dma_start3A_468 = arith.constant 0 : i32
        %dma_start3A_469 = tpu.memref_slice %arg3[%dma_start3A_467, %dma_start3A_468] : memref<1000000x64xf32, #tpu.memory_space<hbm>> -> memref<1000000x64xf32, #tpu.memory_space<hbm>>
        tpu.enqueue_indirect_dma source(%dma_start3A_469 : memref<1000000x64xf32, #tpu.memory_space<hbm>>) target(%dma_start3A_463 : memref<50x64xf32, #tpu.memory_space<vmem>>) offsets(%dma_start3A_466 : memref<50xi32, #tpu.memory_space<vmem>>) semaphore(%arg9 : memref<!tpu.dma_semaphore, #tpu.memory_space<semaphore_mem>>)
        %mul3A_470 = arith.constant 8 : i32
        %mul3A_471 = arith.muli %add3A_394, %mul3A_470 : i32
        %add3A_472 = arith.constant 5 : i32
        %add3A_473 = arith.addi %mul3A_471, %add3A_472 : i32
        %dma_start3A_474 = arith.constant 5 : i32
        %dma_start3A_475 = arith.constant 0 : i32
        %dma_start3A_476 = arith.constant 0 : i32
        %dma_start3A_477 = tpu.memref_slice %arg7[%dma_start3A_474, %dma_start3A_475, %dma_start3A_476] : memref<8x50x64xf32, #tpu.memory_space<vmem>> -> memref<1x50x64xf32, #tpu.memory_space<vmem>>
        %dma_start3A_478 = tpu.memref_squeeze %dma_start3A_477 : memref<1x50x64xf32, #tpu.memory_space<vmem>> -> memref<50x64xf32, #tpu.memory_space<vmem>>
        %dma_start3A_479 = arith.constant 0 : i32
        %dma_start3A_480 = tpu.memref_slice %arg5[%add3A_473, %dma_start3A_479] : memref<512x50xi32, #tpu.memory_space<vmem>> -> memref<1x50xi32, #tpu.memory_space<vmem>>
        %dma_start3A_481 = tpu.memref_squeeze %dma_start3A_480 : memref<1x50xi32, #tpu.memory_space<vmem>> -> memref<50xi32, #tpu.memory_space<vmem>>
        %dma_start3A_482 = arith.constant 0 : i32
        %dma_start3A_483 = arith.constant 0 : i32
        %dma_start3A_484 = tpu.memref_slice %arg3[%dma_start3A_482, %dma_start3A_483] : memref<1000000x64xf32, #tpu.memory_space<hbm>> -> memref<1000000x64xf32, #tpu.memory_space<hbm>>
        tpu.enqueue_indirect_dma source(%dma_start3A_484 : memref<1000000x64xf32, #tpu.memory_space<hbm>>) target(%dma_start3A_478 : memref<50x64xf32, #tpu.memory_space<vmem>>) offsets(%dma_start3A_481 : memref<50xi32, #tpu.memory_space<vmem>>) semaphore(%arg9 : memref<!tpu.dma_semaphore, #tpu.memory_space<semaphore_mem>>)
        %mul3A_485 = arith.constant 8 : i32
        %mul3A_486 = arith.muli %add3A_394, %mul3A_485 : i32
        %add3A_487 = arith.constant 6 : i32
        %add3A_488 = arith.addi %mul3A_486, %add3A_487 : i32
        %dma_start3A_489 = arith.constant 6 : i32
        %dma_start3A_490 = arith.constant 0 : i32
        %dma_start3A_491 = arith.constant 0 : i32
        %dma_start3A_492 = tpu.memref_slice %arg7[%dma_start3A_489, %dma_start3A_490, %dma_start3A_491] : memref<8x50x64xf32, #tpu.memory_space<vmem>> -> memref<1x50x64xf32, #tpu.memory_space<vmem>>
        %dma_start3A_493 = tpu.memref_squeeze %dma_start3A_492 : memref<1x50x64xf32, #tpu.memory_space<vmem>> -> memref<50x64xf32, #tpu.memory_space<vmem>>
        %dma_start3A_494 = arith.constant 0 : i32
        %dma_start3A_495 = tpu.memref_slice %arg5[%add3A_488, %dma_start3A_494] : memref<512x50xi32, #tpu.memory_space<vmem>> -> memref<1x50xi32, #tpu.memory_space<vmem>>
        %dma_start3A_496 = tpu.memref_squeeze %dma_start3A_495 : memref<1x50xi32, #tpu.memory_space<vmem>> -> memref<50xi32, #tpu.memory_space<vmem>>
        %dma_start3A_497 = arith.constant 0 : i32
        %dma_start3A_498 = arith.constant 0 : i32
        %dma_start3A_499 = tpu.memref_slice %arg3[%dma_start3A_497, %dma_start3A_498] : memref<1000000x64xf32, #tpu.memory_space<hbm>> -> memref<1000000x64xf32, #tpu.memory_space<hbm>>
        tpu.enqueue_indirect_dma source(%dma_start3A_499 : memref<1000000x64xf32, #tpu.memory_space<hbm>>) target(%dma_start3A_493 : memref<50x64xf32, #tpu.memory_space<vmem>>) offsets(%dma_start3A_496 : memref<50xi32, #tpu.memory_space<vmem>>) semaphore(%arg9 : memref<!tpu.dma_semaphore, #tpu.memory_space<semaphore_mem>>)
        %mul3A_500 = arith.constant 8 : i32
        %mul3A_501 = arith.muli %add3A_394, %mul3A_500 : i32
        %add3A_502 = arith.constant 7 : i32
        %add3A_503 = arith.addi %mul3A_501, %add3A_502 : i32
        %dma_start3A_504 = arith.constant 7 : i32
        %dma_start3A_505 = arith.constant 0 : i32
        %dma_start3A_506 = arith.constant 0 : i32
        %dma_start3A_507 = tpu.memref_slice %arg7[%dma_start3A_504, %dma_start3A_505, %dma_start3A_506] : memref<8x50x64xf32, #tpu.memory_space<vmem>> -> memref<1x50x64xf32, #tpu.memory_space<vmem>>
        %dma_start3A_508 = tpu.memref_squeeze %dma_start3A_507 : memref<1x50x64xf32, #tpu.memory_space<vmem>> -> memref<50x64xf32, #tpu.memory_space<vmem>>
        %dma_start3A_509 = arith.constant 0 : i32
        %dma_start3A_510 = tpu.memref_slice %arg5[%add3A_503, %dma_start3A_509] : memref<512x50xi32, #tpu.memory_space<vmem>> -> memref<1x50xi32, #tpu.memory_space<vmem>>
        %dma_start3A_511 = tpu.memref_squeeze %dma_start3A_510 : memref<1x50xi32, #tpu.memory_space<vmem>> -> memref<50xi32, #tpu.memory_space<vmem>>
        %dma_start3A_512 = arith.constant 0 : i32
        %dma_start3A_513 = arith.constant 0 : i32
        %dma_start3A_514 = tpu.memref_slice %arg3[%dma_start3A_512, %dma_start3A_513] : memref<1000000x64xf32, #tpu.memory_space<hbm>> -> memref<1000000x64xf32, #tpu.memory_space<hbm>>
        tpu.enqueue_indirect_dma source(%dma_start3A_514 : memref<1000000x64xf32, #tpu.memory_space<hbm>>) target(%dma_start3A_508 : memref<50x64xf32, #tpu.memory_space<vmem>>) offsets(%dma_start3A_511 : memref<50xi32, #tpu.memory_space<vmem>>) semaphore(%arg9 : memref<!tpu.dma_semaphore, #tpu.memory_space<semaphore_mem>>)
      } else {
      }
      %mul3A_121 = arith.constant 8 : i32
      %mul3A_122 = arith.muli %add3A_114, %mul3A_121 : i32
      %add3A_123 = arith.constant 0 : i32
      %add3A_124 = arith.addi %mul3A_122, %add3A_123 : i32
      %dma_wait3A_125 = arith.constant 0 : i32
      %dma_wait3A_126 = arith.constant 0 : i32
      %dma_wait3A_127 = arith.constant 0 : i32
      %dma_wait3A_128 = tpu.memref_slice %arg6[%dma_wait3A_125, %dma_wait3A_126, %dma_wait3A_127] : memref<8x50x64xf32, #tpu.memory_space<vmem>> -> memref<1x50x64xf32, #tpu.memory_space<vmem>>
      %dma_wait3A_129 = tpu.memref_squeeze %dma_wait3A_128 : memref<1x50x64xf32, #tpu.memory_space<vmem>> -> memref<50x64xf32, #tpu.memory_space<vmem>>
      %dma_wait3A_130 = arith.constant 0 : i32
      %dma_wait3A_131 = tpu.memref_slice %arg5[%add3A_124, %dma_wait3A_130] : memref<512x50xi32, #tpu.memory_space<vmem>> -> memref<1x50xi32, #tpu.memory_space<vmem>>
      %dma_wait3A_132 = tpu.memref_squeeze %dma_wait3A_131 : memref<1x50xi32, #tpu.memory_space<vmem>> -> memref<50xi32, #tpu.memory_space<vmem>>
      %dma_wait3A_133 = arith.constant 0 : i32
      %dma_wait3A_134 = arith.constant 0 : i32
      %dma_wait3A_135 = tpu.memref_slice %arg3[%dma_wait3A_133, %dma_wait3A_134] : memref<1000000x64xf32, #tpu.memory_space<hbm>> -> memref<1000000x64xf32, #tpu.memory_space<hbm>>
      tpu.wait_indirect_dma semaphore(%arg8 : memref<!tpu.dma_semaphore, #tpu.memory_space<semaphore_mem>>) src(%dma_wait3A_135 : memref<1000000x64xf32, #tpu.memory_space<hbm>>) dst(%dma_wait3A_129 : memref<50x64xf32, #tpu.memory_space<vmem>>)
      %mul3A_136 = arith.constant 8 : i32
      %mul3A_137 = arith.muli %add3A_114, %mul3A_136 : i32
      %add3A_138 = arith.constant 1 : i32
      %add3A_139 = arith.addi %mul3A_137, %add3A_138 : i32
      %dma_wait3A_140 = arith.constant 1 : i32
      %dma_wait3A_141 = arith.constant 0 : i32
      %dma_wait3A_142 = arith.constant 0 : i32
      %dma_wait3A_143 = tpu.memref_slice %arg6[%dma_wait3A_140, %dma_wait3A_141, %dma_wait3A_142] : memref<8x50x64xf32, #tpu.memory_space<vmem>> -> memref<1x50x64xf32, #tpu.memory_space<vmem>>
      %dma_wait3A_144 = tpu.memref_squeeze %dma_wait3A_143 : memref<1x50x64xf32, #tpu.memory_space<vmem>> -> memref<50x64xf32, #tpu.memory_space<vmem>>
      %dma_wait3A_145 = arith.constant 0 : i32
      %dma_wait3A_146 = tpu.memref_slice %arg5[%add3A_139, %dma_wait3A_145] : memref<512x50xi32, #tpu.memory_space<vmem>> -> memref<1x50xi32, #tpu.memory_space<vmem>>
      %dma_wait3A_147 = tpu.memref_squeeze %dma_wait3A_146 : memref<1x50xi32, #tpu.memory_space<vmem>> -> memref<50xi32, #tpu.memory_space<vmem>>
      %dma_wait3A_148 = arith.constant 0 : i32
      %dma_wait3A_149 = arith.constant 0 : i32
      %dma_wait3A_150 = tpu.memref_slice %arg3[%dma_wait3A_148, %dma_wait3A_149] : memref<1000000x64xf32, #tpu.memory_space<hbm>> -> memref<1000000x64xf32, #tpu.memory_space<hbm>>
      tpu.wait_indirect_dma semaphore(%arg8 : memref<!tpu.dma_semaphore, #tpu.memory_space<semaphore_mem>>) src(%dma_wait3A_150 : memref<1000000x64xf32, #tpu.memory_space<hbm>>) dst(%dma_wait3A_144 : memref<50x64xf32, #tpu.memory_space<vmem>>)
      %mul3A_151 = arith.constant 8 : i32
      %mul3A_152 = arith.muli %add3A_114, %mul3A_151 : i32
      %add3A_153 = arith.constant 2 : i32
      %add3A_154 = arith.addi %mul3A_152, %add3A_153 : i32
      %dma_wait3A_155 = arith.constant 2 : i32
      %dma_wait3A_156 = arith.constant 0 : i32
      %dma_wait3A_157 = arith.constant 0 : i32
      %dma_wait3A_158 = tpu.memref_slice %arg6[%dma_wait3A_155, %dma_wait3A_156, %dma_wait3A_157] : memref<8x50x64xf32, #tpu.memory_space<vmem>> -> memref<1x50x64xf32, #tpu.memory_space<vmem>>
      %dma_wait3A_159 = tpu.memref_squeeze %dma_wait3A_158 : memref<1x50x64xf32, #tpu.memory_space<vmem>> -> memref<50x64xf32, #tpu.memory_space<vmem>>
      %dma_wait3A_160 = arith.constant 0 : i32
      %dma_wait3A_161 = tpu.memref_slice %arg5[%add3A_154, %dma_wait3A_160] : memref<512x50xi32, #tpu.memory_space<vmem>> -> memref<1x50xi32, #tpu.memory_space<vmem>>
      %dma_wait3A_162 = tpu.memref_squeeze %dma_wait3A_161 : memref<1x50xi32, #tpu.memory_space<vmem>> -> memref<50xi32, #tpu.memory_space<vmem>>
      %dma_wait3A_163 = arith.constant 0 : i32
      %dma_wait3A_164 = arith.constant 0 : i32
      %dma_wait3A_165 = tpu.memref_slice %arg3[%dma_wait3A_163, %dma_wait3A_164] : memref<1000000x64xf32, #tpu.memory_space<hbm>> -> memref<1000000x64xf32, #tpu.memory_space<hbm>>
      tpu.wait_indirect_dma semaphore(%arg8 : memref<!tpu.dma_semaphore, #tpu.memory_space<semaphore_mem>>) src(%dma_wait3A_165 : memref<1000000x64xf32, #tpu.memory_space<hbm>>) dst(%dma_wait3A_159 : memref<50x64xf32, #tpu.memory_space<vmem>>)
      %mul3A_166 = arith.constant 8 : i32
      %mul3A_167 = arith.muli %add3A_114, %mul3A_166 : i32
      %add3A_168 = arith.constant 3 : i32
      %add3A_169 = arith.addi %mul3A_167, %add3A_168 : i32
      %dma_wait3A_170 = arith.constant 3 : i32
      %dma_wait3A_171 = arith.constant 0 : i32
      %dma_wait3A_172 = arith.constant 0 : i32
      %dma_wait3A_173 = tpu.memref_slice %arg6[%dma_wait3A_170, %dma_wait3A_171, %dma_wait3A_172] : memref<8x50x64xf32, #tpu.memory_space<vmem>> -> memref<1x50x64xf32, #tpu.memory_space<vmem>>
      %dma_wait3A_174 = tpu.memref_squeeze %dma_wait3A_173 : memref<1x50x64xf32, #tpu.memory_space<vmem>> -> memref<50x64xf32, #tpu.memory_space<vmem>>
      %dma_wait3A_175 = arith.constant 0 : i32
      %dma_wait3A_176 = tpu.memref_slice %arg5[%add3A_169, %dma_wait3A_175] : memref<512x50xi32, #tpu.memory_space<vmem>> -> memref<1x50xi32, #tpu.memory_space<vmem>>
      %dma_wait3A_177 = tpu.memref_squeeze %dma_wait3A_176 : memref<1x50xi32, #tpu.memory_space<vmem>> -> memref<50xi32, #tpu.memory_space<vmem>>
      %dma_wait3A_178 = arith.constant 0 : i32
      %dma_wait3A_179 = arith.constant 0 : i32
      %dma_wait3A_180 = tpu.memref_slice %arg3[%dma_wait3A_178, %dma_wait3A_179] : memref<1000000x64xf32, #tpu.memory_space<hbm>> -> memref<1000000x64xf32, #tpu.memory_space<hbm>>
      tpu.wait_indirect_dma semaphore(%arg8 : memref<!tpu.dma_semaphore, #tpu.memory_space<semaphore_mem>>) src(%dma_wait3A_180 : memref<1000000x64xf32, #tpu.memory_space<hbm>>) dst(%dma_wait3A_174 : memref<50x64xf32, #tpu.memory_space<vmem>>)
      %mul3A_181 = arith.constant 8 : i32
      %mul3A_182 = arith.muli %add3A_114, %mul3A_181 : i32
      %add3A_183 = arith.constant 4 : i32
      %add3A_184 = arith.addi %mul3A_182, %add3A_183 : i32
      %dma_wait3A_185 = arith.constant 4 : i32
      %dma_wait3A_186 = arith.constant 0 : i32
      %dma_wait3A_187 = arith.constant 0 : i32
      %dma_wait3A_188 = tpu.memref_slice %arg6[%dma_wait3A_185, %dma_wait3A_186, %dma_wait3A_187] : memref<8x50x64xf32, #tpu.memory_space<vmem>> -> memref<1x50x64xf32, #tpu.memory_space<vmem>>
      %dma_wait3A_189 = tpu.memref_squeeze %dma_wait3A_188 : memref<1x50x64xf32, #tpu.memory_space<vmem>> -> memref<50x64xf32, #tpu.memory_space<vmem>>
      %dma_wait3A_190 = arith.constant 0 : i32
      %dma_wait3A_191 = tpu.memref_slice %arg5[%add3A_184, %dma_wait3A_190] : memref<512x50xi32, #tpu.memory_space<vmem>> -> memref<1x50xi32, #tpu.memory_space<vmem>>
      %dma_wait3A_192 = tpu.memref_squeeze %dma_wait3A_191 : memref<1x50xi32, #tpu.memory_space<vmem>> -> memref<50xi32, #tpu.memory_space<vmem>>
      %dma_wait3A_193 = arith.constant 0 : i32
      %dma_wait3A_194 = arith.constant 0 : i32
      %dma_wait3A_195 = tpu.memref_slice %arg3[%dma_wait3A_193, %dma_wait3A_194] : memref<1000000x64xf32, #tpu.memory_space<hbm>> -> memref<1000000x64xf32, #tpu.memory_space<hbm>>
      tpu.wait_indirect_dma semaphore(%arg8 : memref<!tpu.dma_semaphore, #tpu.memory_space<semaphore_mem>>) src(%dma_wait3A_195 : memref<1000000x64xf32, #tpu.memory_space<hbm>>) dst(%dma_wait3A_189 : memref<50x64xf32, #tpu.memory_space<vmem>>)
      %mul3A_196 = arith.constant 8 : i32
      %mul3A_197 = arith.muli %add3A_114, %mul3A_196 : i32
      %add3A_198 = arith.constant 5 : i32
      %add3A_199 = arith.addi %mul3A_197, %add3A_198 : i32
      %dma_wait3A_200 = arith.constant 5 : i32
      %dma_wait3A_201 = arith.constant 0 : i32
      %dma_wait3A_202 = arith.constant 0 : i32
      %dma_wait3A_203 = tpu.memref_slice %arg6[%dma_wait3A_200, %dma_wait3A_201, %dma_wait3A_202] : memref<8x50x64xf32, #tpu.memory_space<vmem>> -> memref<1x50x64xf32, #tpu.memory_space<vmem>>
      %dma_wait3A_204 = tpu.memref_squeeze %dma_wait3A_203 : memref<1x50x64xf32, #tpu.memory_space<vmem>> -> memref<50x64xf32, #tpu.memory_space<vmem>>
      %dma_wait3A_205 = arith.constant 0 : i32
      %dma_wait3A_206 = tpu.memref_slice %arg5[%add3A_199, %dma_wait3A_205] : memref<512x50xi32, #tpu.memory_space<vmem>> -> memref<1x50xi32, #tpu.memory_space<vmem>>
      %dma_wait3A_207 = tpu.memref_squeeze %dma_wait3A_206 : memref<1x50xi32, #tpu.memory_space<vmem>> -> memref<50xi32, #tpu.memory_space<vmem>>
      %dma_wait3A_208 = arith.constant 0 : i32
      %dma_wait3A_209 = arith.constant 0 : i32
      %dma_wait3A_210 = tpu.memref_slice %arg3[%dma_wait3A_208, %dma_wait3A_209] : memref<1000000x64xf32, #tpu.memory_space<hbm>> -> memref<1000000x64xf32, #tpu.memory_space<hbm>>
      tpu.wait_indirect_dma semaphore(%arg8 : memref<!tpu.dma_semaphore, #tpu.memory_space<semaphore_mem>>) src(%dma_wait3A_210 : memref<1000000x64xf32, #tpu.memory_space<hbm>>) dst(%dma_wait3A_204 : memref<50x64xf32, #tpu.memory_space<vmem>>)
      %mul3A_211 = arith.constant 8 : i32
      %mul3A_212 = arith.muli %add3A_114, %mul3A_211 : i32
      %add3A_213 = arith.constant 6 : i32
      %add3A_214 = arith.addi %mul3A_212, %add3A_213 : i32
      %dma_wait3A_215 = arith.constant 6 : i32
      %dma_wait3A_216 = arith.constant 0 : i32
      %dma_wait3A_217 = arith.constant 0 : i32
      %dma_wait3A_218 = tpu.memref_slice %arg6[%dma_wait3A_215, %dma_wait3A_216, %dma_wait3A_217] : memref<8x50x64xf32, #tpu.memory_space<vmem>> -> memref<1x50x64xf32, #tpu.memory_space<vmem>>
      %dma_wait3A_219 = tpu.memref_squeeze %dma_wait3A_218 : memref<1x50x64xf32, #tpu.memory_space<vmem>> -> memref<50x64xf32, #tpu.memory_space<vmem>>
      %dma_wait3A_220 = arith.constant 0 : i32
      %dma_wait3A_221 = tpu.memref_slice %arg5[%add3A_214, %dma_wait3A_220] : memref<512x50xi32, #tpu.memory_space<vmem>> -> memref<1x50xi32, #tpu.memory_space<vmem>>
      %dma_wait3A_222 = tpu.memref_squeeze %dma_wait3A_221 : memref<1x50xi32, #tpu.memory_space<vmem>> -> memref<50xi32, #tpu.memory_space<vmem>>
      %dma_wait3A_223 = arith.constant 0 : i32
      %dma_wait3A_224 = arith.constant 0 : i32
      %dma_wait3A_225 = tpu.memref_slice %arg3[%dma_wait3A_223, %dma_wait3A_224] : memref<1000000x64xf32, #tpu.memory_space<hbm>> -> memref<1000000x64xf32, #tpu.memory_space<hbm>>
      tpu.wait_indirect_dma semaphore(%arg8 : memref<!tpu.dma_semaphore, #tpu.memory_space<semaphore_mem>>) src(%dma_wait3A_225 : memref<1000000x64xf32, #tpu.memory_space<hbm>>) dst(%dma_wait3A_219 : memref<50x64xf32, #tpu.memory_space<vmem>>)
      %mul3A_226 = arith.constant 8 : i32
      %mul3A_227 = arith.muli %add3A_114, %mul3A_226 : i32
      %add3A_228 = arith.constant 7 : i32
      %add3A_229 = arith.addi %mul3A_227, %add3A_228 : i32
      %dma_wait3A_230 = arith.constant 7 : i32
      %dma_wait3A_231 = arith.constant 0 : i32
      %dma_wait3A_232 = arith.constant 0 : i32
      %dma_wait3A_233 = tpu.memref_slice %arg6[%dma_wait3A_230, %dma_wait3A_231, %dma_wait3A_232] : memref<8x50x64xf32, #tpu.memory_space<vmem>> -> memref<1x50x64xf32, #tpu.memory_space<vmem>>
      %dma_wait3A_234 = tpu.memref_squeeze %dma_wait3A_233 : memref<1x50x64xf32, #tpu.memory_space<vmem>> -> memref<50x64xf32, #tpu.memory_space<vmem>>
      %dma_wait3A_235 = arith.constant 0 : i32
      %dma_wait3A_236 = tpu.memref_slice %arg5[%add3A_229, %dma_wait3A_235] : memref<512x50xi32, #tpu.memory_space<vmem>> -> memref<1x50xi32, #tpu.memory_space<vmem>>
      %dma_wait3A_237 = tpu.memref_squeeze %dma_wait3A_236 : memref<1x50xi32, #tpu.memory_space<vmem>> -> memref<50xi32, #tpu.memory_space<vmem>>
      %dma_wait3A_238 = arith.constant 0 : i32
      %dma_wait3A_239 = arith.constant 0 : i32
      %dma_wait3A_240 = tpu.memref_slice %arg3[%dma_wait3A_238, %dma_wait3A_239] : memref<1000000x64xf32, #tpu.memory_space<hbm>> -> memref<1000000x64xf32, #tpu.memory_space<hbm>>
      tpu.wait_indirect_dma semaphore(%arg8 : memref<!tpu.dma_semaphore, #tpu.memory_space<semaphore_mem>>) src(%dma_wait3A_240 : memref<1000000x64xf32, #tpu.memory_space<hbm>>) dst(%dma_wait3A_234 : memref<50x64xf32, #tpu.memory_space<vmem>>)
      %mul3A_241 = arith.constant 8 : i32
      %mul3A_242 = arith.muli %add3A_114, %mul3A_241 : i32
      %add3A_243 = arith.addi %mul3A_2, %mul3A_242 : i32
      %dma_start3A_244 = arith.constant 0 : i32
      %dma_start3A_245 = arith.constant 0 : i32
      %dma_start3A_246 = tpu.memref_slice %arg4[%add3A_243, %dma_start3A_244, %dma_start3A_245] : memref<16384x50x64xf32, #tpu.memory_space<hbm>> -> memref<8x50x64xf32, #tpu.memory_space<hbm>>
      %dma_start3A_247 = arith.constant 0 : i32
      %dma_start3A_248 = arith.constant 0 : i32
      %dma_start3A_249 = tpu.memref_slice %arg4[%add3A_243, %dma_start3A_247, %dma_start3A_248] : memref<16384x50x64xf32, #tpu.memory_space<hbm>> -> memref<8x50x64xf32, #tpu.memory_space<hbm>>
      tpu.enqueue_dma source(%arg6 : memref<8x50x64xf32, #tpu.memory_space<vmem>>) target(%dma_start3A_249 : memref<8x50x64xf32, #tpu.memory_space<hbm>>) target_semaphore(%arg10 : memref<!tpu.dma_semaphore, #tpu.memory_space<semaphore_mem>>)
      %mul3A_250 = arith.constant 2 : i32
      %mul3A_251 = arith.muli %mul3A_250, %scan3A_110 : i32
      %add3A_252 = arith.constant 1 : i32
      %add3A_253 = arith.addi %mul3A_251, %add3A_252 : i32
      %ge3A_254 = arith.constant 1 : i32
      %ge3A_255 = arith.cmpi sge, %add3A_253, %ge3A_254 : i32
      %convert_element_type3A_256 = arith.extui %ge3A_255 : i1 to i32
      %cond3A_257 = arith.constant 0 : i32
      %cond3A_258 = arith.cmpi ne, %convert_element_type3A_256, %cond3A_257 : i32
      scf.if %cond3A_258 {
        %sub3A = arith.constant 1 : i32
        %sub3A_393 = arith.subi %add3A_253, %sub3A : i32
        %mul3A_394 = arith.constant 8 : i32
        %mul3A_395 = arith.muli %sub3A_393, %mul3A_394 : i32
        %add3A_396 = arith.addi %mul3A_2, %mul3A_395 : i32
        %dma_wait3A_397 = arith.constant 0 : i32
        %dma_wait3A_398 = arith.constant 0 : i32
        %dma_wait3A_399 = tpu.memref_slice %arg4[%add3A_396, %dma_wait3A_397, %dma_wait3A_398] : memref<16384x50x64xf32, #tpu.memory_space<hbm>> -> memref<8x50x64xf32, #tpu.memory_space<hbm>>
        %dma_wait3A_400 = arith.constant 0 : i32
        %dma_wait3A_401 = arith.constant 0 : i32
        %dma_wait3A_402 = tpu.memref_slice %arg4[%add3A_396, %dma_wait3A_400, %dma_wait3A_401] : memref<16384x50x64xf32, #tpu.memory_space<hbm>> -> memref<8x50x64xf32, #tpu.memory_space<hbm>>
        tpu.wait_dma2 semaphore(%arg10 : memref<!tpu.dma_semaphore, #tpu.memory_space<semaphore_mem>>) src(%arg6 : memref<8x50x64xf32, #tpu.memory_space<vmem>>) dst(%dma_wait3A_402 : memref<8x50x64xf32, #tpu.memory_space<hbm>>)
      } else {
      }
      %lt3A_259 = arith.constant 63 : i32
      %lt3A_260 = arith.cmpi slt, %add3A_253, %lt3A_259 : i32
      %convert_element_type3A_261 = arith.extui %lt3A_260 : i1 to i32
      %cond3A_262 = arith.constant 0 : i32
      %cond3A_263 = arith.cmpi ne, %convert_element_type3A_261, %cond3A_262 : i32
      scf.if %cond3A_263 {
        %add3A_393 = arith.constant 1 : i32
        %add3A_394 = arith.addi %add3A_253, %add3A_393 : i32
        %mul3A_395 = arith.constant 8 : i32
        %mul3A_396 = arith.muli %add3A_394, %mul3A_395 : i32
        %add3A_397 = arith.constant 0 : i32
        %add3A_398 = arith.addi %mul3A_396, %add3A_397 : i32
        %dma_start3A_399 = arith.constant 0 : i32
        %dma_start3A_400 = arith.constant 0 : i32
        %dma_start3A_401 = arith.constant 0 : i32
        %dma_start3A_402 = tpu.memref_slice %arg6[%dma_start3A_399, %dma_start3A_400, %dma_start3A_401] : memref<8x50x64xf32, #tpu.memory_space<vmem>> -> memref<1x50x64xf32, #tpu.memory_space<vmem>>
        %dma_start3A_403 = tpu.memref_squeeze %dma_start3A_402 : memref<1x50x64xf32, #tpu.memory_space<vmem>> -> memref<50x64xf32, #tpu.memory_space<vmem>>
        %dma_start3A_404 = arith.constant 0 : i32
        %dma_start3A_405 = tpu.memref_slice %arg5[%add3A_398, %dma_start3A_404] : memref<512x50xi32, #tpu.memory_space<vmem>> -> memref<1x50xi32, #tpu.memory_space<vmem>>
        %dma_start3A_406 = tpu.memref_squeeze %dma_start3A_405 : memref<1x50xi32, #tpu.memory_space<vmem>> -> memref<50xi32, #tpu.memory_space<vmem>>
        %dma_start3A_407 = arith.constant 0 : i32
        %dma_start3A_408 = arith.constant 0 : i32
        %dma_start3A_409 = tpu.memref_slice %arg3[%dma_start3A_407, %dma_start3A_408] : memref<1000000x64xf32, #tpu.memory_space<hbm>> -> memref<1000000x64xf32, #tpu.memory_space<hbm>>
        tpu.enqueue_indirect_dma source(%dma_start3A_409 : memref<1000000x64xf32, #tpu.memory_space<hbm>>) target(%dma_start3A_403 : memref<50x64xf32, #tpu.memory_space<vmem>>) offsets(%dma_start3A_406 : memref<50xi32, #tpu.memory_space<vmem>>) semaphore(%arg8 : memref<!tpu.dma_semaphore, #tpu.memory_space<semaphore_mem>>)
        %mul3A_410 = arith.constant 8 : i32
        %mul3A_411 = arith.muli %add3A_394, %mul3A_410 : i32
        %add3A_412 = arith.constant 1 : i32
        %add3A_413 = arith.addi %mul3A_411, %add3A_412 : i32
        %dma_start3A_414 = arith.constant 1 : i32
        %dma_start3A_415 = arith.constant 0 : i32
        %dma_start3A_416 = arith.constant 0 : i32
        %dma_start3A_417 = tpu.memref_slice %arg6[%dma_start3A_414, %dma_start3A_415, %dma_start3A_416] : memref<8x50x64xf32, #tpu.memory_space<vmem>> -> memref<1x50x64xf32, #tpu.memory_space<vmem>>
        %dma_start3A_418 = tpu.memref_squeeze %dma_start3A_417 : memref<1x50x64xf32, #tpu.memory_space<vmem>> -> memref<50x64xf32, #tpu.memory_space<vmem>>
        %dma_start3A_419 = arith.constant 0 : i32
        %dma_start3A_420 = tpu.memref_slice %arg5[%add3A_413, %dma_start3A_419] : memref<512x50xi32, #tpu.memory_space<vmem>> -> memref<1x50xi32, #tpu.memory_space<vmem>>
        %dma_start3A_421 = tpu.memref_squeeze %dma_start3A_420 : memref<1x50xi32, #tpu.memory_space<vmem>> -> memref<50xi32, #tpu.memory_space<vmem>>
        %dma_start3A_422 = arith.constant 0 : i32
        %dma_start3A_423 = arith.constant 0 : i32
        %dma_start3A_424 = tpu.memref_slice %arg3[%dma_start3A_422, %dma_start3A_423] : memref<1000000x64xf32, #tpu.memory_space<hbm>> -> memref<1000000x64xf32, #tpu.memory_space<hbm>>
        tpu.enqueue_indirect_dma source(%dma_start3A_424 : memref<1000000x64xf32, #tpu.memory_space<hbm>>) target(%dma_start3A_418 : memref<50x64xf32, #tpu.memory_space<vmem>>) offsets(%dma_start3A_421 : memref<50xi32, #tpu.memory_space<vmem>>) semaphore(%arg8 : memref<!tpu.dma_semaphore, #tpu.memory_space<semaphore_mem>>)
        %mul3A_425 = arith.constant 8 : i32
        %mul3A_426 = arith.muli %add3A_394, %mul3A_425 : i32
        %add3A_427 = arith.constant 2 : i32
        %add3A_428 = arith.addi %mul3A_426, %add3A_427 : i32
        %dma_start3A_429 = arith.constant 2 : i32
        %dma_start3A_430 = arith.constant 0 : i32
        %dma_start3A_431 = arith.constant 0 : i32
        %dma_start3A_432 = tpu.memref_slice %arg6[%dma_start3A_429, %dma_start3A_430, %dma_start3A_431] : memref<8x50x64xf32, #tpu.memory_space<vmem>> -> memref<1x50x64xf32, #tpu.memory_space<vmem>>
        %dma_start3A_433 = tpu.memref_squeeze %dma_start3A_432 : memref<1x50x64xf32, #tpu.memory_space<vmem>> -> memref<50x64xf32, #tpu.memory_space<vmem>>
        %dma_start3A_434 = arith.constant 0 : i32
        %dma_start3A_435 = tpu.memref_slice %arg5[%add3A_428, %dma_start3A_434] : memref<512x50xi32, #tpu.memory_space<vmem>> -> memref<1x50xi32, #tpu.memory_space<vmem>>
        %dma_start3A_436 = tpu.memref_squeeze %dma_start3A_435 : memref<1x50xi32, #tpu.memory_space<vmem>> -> memref<50xi32, #tpu.memory_space<vmem>>
        %dma_start3A_437 = arith.constant 0 : i32
        %dma_start3A_438 = arith.constant 0 : i32
        %dma_start3A_439 = tpu.memref_slice %arg3[%dma_start3A_437, %dma_start3A_438] : memref<1000000x64xf32, #tpu.memory_space<hbm>> -> memref<1000000x64xf32, #tpu.memory_space<hbm>>
        tpu.enqueue_indirect_dma source(%dma_start3A_439 : memref<1000000x64xf32, #tpu.memory_space<hbm>>) target(%dma_start3A_433 : memref<50x64xf32, #tpu.memory_space<vmem>>) offsets(%dma_start3A_436 : memref<50xi32, #tpu.memory_space<vmem>>) semaphore(%arg8 : memref<!tpu.dma_semaphore, #tpu.memory_space<semaphore_mem>>)
        %mul3A_440 = arith.constant 8 : i32
        %mul3A_441 = arith.muli %add3A_394, %mul3A_440 : i32
        %add3A_442 = arith.constant 3 : i32
        %add3A_443 = arith.addi %mul3A_441, %add3A_442 : i32
        %dma_start3A_444 = arith.constant 3 : i32
        %dma_start3A_445 = arith.constant 0 : i32
        %dma_start3A_446 = arith.constant 0 : i32
        %dma_start3A_447 = tpu.memref_slice %arg6[%dma_start3A_444, %dma_start3A_445, %dma_start3A_446] : memref<8x50x64xf32, #tpu.memory_space<vmem>> -> memref<1x50x64xf32, #tpu.memory_space<vmem>>
        %dma_start3A_448 = tpu.memref_squeeze %dma_start3A_447 : memref<1x50x64xf32, #tpu.memory_space<vmem>> -> memref<50x64xf32, #tpu.memory_space<vmem>>
        %dma_start3A_449 = arith.constant 0 : i32
        %dma_start3A_450 = tpu.memref_slice %arg5[%add3A_443, %dma_start3A_449] : memref<512x50xi32, #tpu.memory_space<vmem>> -> memref<1x50xi32, #tpu.memory_space<vmem>>
        %dma_start3A_451 = tpu.memref_squeeze %dma_start3A_450 : memref<1x50xi32, #tpu.memory_space<vmem>> -> memref<50xi32, #tpu.memory_space<vmem>>
        %dma_start3A_452 = arith.constant 0 : i32
        %dma_start3A_453 = arith.constant 0 : i32
        %dma_start3A_454 = tpu.memref_slice %arg3[%dma_start3A_452, %dma_start3A_453] : memref<1000000x64xf32, #tpu.memory_space<hbm>> -> memref<1000000x64xf32, #tpu.memory_space<hbm>>
        tpu.enqueue_indirect_dma source(%dma_start3A_454 : memref<1000000x64xf32, #tpu.memory_space<hbm>>) target(%dma_start3A_448 : memref<50x64xf32, #tpu.memory_space<vmem>>) offsets(%dma_start3A_451 : memref<50xi32, #tpu.memory_space<vmem>>) semaphore(%arg8 : memref<!tpu.dma_semaphore, #tpu.memory_space<semaphore_mem>>)
        %mul3A_455 = arith.constant 8 : i32
        %mul3A_456 = arith.muli %add3A_394, %mul3A_455 : i32
        %add3A_457 = arith.constant 4 : i32
        %add3A_458 = arith.addi %mul3A_456, %add3A_457 : i32
        %dma_start3A_459 = arith.constant 4 : i32
        %dma_start3A_460 = arith.constant 0 : i32
        %dma_start3A_461 = arith.constant 0 : i32
        %dma_start3A_462 = tpu.memref_slice %arg6[%dma_start3A_459, %dma_start3A_460, %dma_start3A_461] : memref<8x50x64xf32, #tpu.memory_space<vmem>> -> memref<1x50x64xf32, #tpu.memory_space<vmem>>
        %dma_start3A_463 = tpu.memref_squeeze %dma_start3A_462 : memref<1x50x64xf32, #tpu.memory_space<vmem>> -> memref<50x64xf32, #tpu.memory_space<vmem>>
        %dma_start3A_464 = arith.constant 0 : i32
        %dma_start3A_465 = tpu.memref_slice %arg5[%add3A_458, %dma_start3A_464] : memref<512x50xi32, #tpu.memory_space<vmem>> -> memref<1x50xi32, #tpu.memory_space<vmem>>
        %dma_start3A_466 = tpu.memref_squeeze %dma_start3A_465 : memref<1x50xi32, #tpu.memory_space<vmem>> -> memref<50xi32, #tpu.memory_space<vmem>>
        %dma_start3A_467 = arith.constant 0 : i32
        %dma_start3A_468 = arith.constant 0 : i32
        %dma_start3A_469 = tpu.memref_slice %arg3[%dma_start3A_467, %dma_start3A_468] : memref<1000000x64xf32, #tpu.memory_space<hbm>> -> memref<1000000x64xf32, #tpu.memory_space<hbm>>
        tpu.enqueue_indirect_dma source(%dma_start3A_469 : memref<1000000x64xf32, #tpu.memory_space<hbm>>) target(%dma_start3A_463 : memref<50x64xf32, #tpu.memory_space<vmem>>) offsets(%dma_start3A_466 : memref<50xi32, #tpu.memory_space<vmem>>) semaphore(%arg8 : memref<!tpu.dma_semaphore, #tpu.memory_space<semaphore_mem>>)
        %mul3A_470 = arith.constant 8 : i32
        %mul3A_471 = arith.muli %add3A_394, %mul3A_470 : i32
        %add3A_472 = arith.constant 5 : i32
        %add3A_473 = arith.addi %mul3A_471, %add3A_472 : i32
        %dma_start3A_474 = arith.constant 5 : i32
        %dma_start3A_475 = arith.constant 0 : i32
        %dma_start3A_476 = arith.constant 0 : i32
        %dma_start3A_477 = tpu.memref_slice %arg6[%dma_start3A_474, %dma_start3A_475, %dma_start3A_476] : memref<8x50x64xf32, #tpu.memory_space<vmem>> -> memref<1x50x64xf32, #tpu.memory_space<vmem>>
        %dma_start3A_478 = tpu.memref_squeeze %dma_start3A_477 : memref<1x50x64xf32, #tpu.memory_space<vmem>> -> memref<50x64xf32, #tpu.memory_space<vmem>>
        %dma_start3A_479 = arith.constant 0 : i32
        %dma_start3A_480 = tpu.memref_slice %arg5[%add3A_473, %dma_start3A_479] : memref<512x50xi32, #tpu.memory_space<vmem>> -> memref<1x50xi32, #tpu.memory_space<vmem>>
        %dma_start3A_481 = tpu.memref_squeeze %dma_start3A_480 : memref<1x50xi32, #tpu.memory_space<vmem>> -> memref<50xi32, #tpu.memory_space<vmem>>
        %dma_start3A_482 = arith.constant 0 : i32
        %dma_start3A_483 = arith.constant 0 : i32
        %dma_start3A_484 = tpu.memref_slice %arg3[%dma_start3A_482, %dma_start3A_483] : memref<1000000x64xf32, #tpu.memory_space<hbm>> -> memref<1000000x64xf32, #tpu.memory_space<hbm>>
        tpu.enqueue_indirect_dma source(%dma_start3A_484 : memref<1000000x64xf32, #tpu.memory_space<hbm>>) target(%dma_start3A_478 : memref<50x64xf32, #tpu.memory_space<vmem>>) offsets(%dma_start3A_481 : memref<50xi32, #tpu.memory_space<vmem>>) semaphore(%arg8 : memref<!tpu.dma_semaphore, #tpu.memory_space<semaphore_mem>>)
        %mul3A_485 = arith.constant 8 : i32
        %mul3A_486 = arith.muli %add3A_394, %mul3A_485 : i32
        %add3A_487 = arith.constant 6 : i32
        %add3A_488 = arith.addi %mul3A_486, %add3A_487 : i32
        %dma_start3A_489 = arith.constant 6 : i32
        %dma_start3A_490 = arith.constant 0 : i32
        %dma_start3A_491 = arith.constant 0 : i32
        %dma_start3A_492 = tpu.memref_slice %arg6[%dma_start3A_489, %dma_start3A_490, %dma_start3A_491] : memref<8x50x64xf32, #tpu.memory_space<vmem>> -> memref<1x50x64xf32, #tpu.memory_space<vmem>>
        %dma_start3A_493 = tpu.memref_squeeze %dma_start3A_492 : memref<1x50x64xf32, #tpu.memory_space<vmem>> -> memref<50x64xf32, #tpu.memory_space<vmem>>
        %dma_start3A_494 = arith.constant 0 : i32
        %dma_start3A_495 = tpu.memref_slice %arg5[%add3A_488, %dma_start3A_494] : memref<512x50xi32, #tpu.memory_space<vmem>> -> memref<1x50xi32, #tpu.memory_space<vmem>>
        %dma_start3A_496 = tpu.memref_squeeze %dma_start3A_495 : memref<1x50xi32, #tpu.memory_space<vmem>> -> memref<50xi32, #tpu.memory_space<vmem>>
        %dma_start3A_497 = arith.constant 0 : i32
        %dma_start3A_498 = arith.constant 0 : i32
        %dma_start3A_499 = tpu.memref_slice %arg3[%dma_start3A_497, %dma_start3A_498] : memref<1000000x64xf32, #tpu.memory_space<hbm>> -> memref<1000000x64xf32, #tpu.memory_space<hbm>>
        tpu.enqueue_indirect_dma source(%dma_start3A_499 : memref<1000000x64xf32, #tpu.memory_space<hbm>>) target(%dma_start3A_493 : memref<50x64xf32, #tpu.memory_space<vmem>>) offsets(%dma_start3A_496 : memref<50xi32, #tpu.memory_space<vmem>>) semaphore(%arg8 : memref<!tpu.dma_semaphore, #tpu.memory_space<semaphore_mem>>)
        %mul3A_500 = arith.constant 8 : i32
        %mul3A_501 = arith.muli %add3A_394, %mul3A_500 : i32
        %add3A_502 = arith.constant 7 : i32
        %add3A_503 = arith.addi %mul3A_501, %add3A_502 : i32
        %dma_start3A_504 = arith.constant 7 : i32
        %dma_start3A_505 = arith.constant 0 : i32
        %dma_start3A_506 = arith.constant 0 : i32
        %dma_start3A_507 = tpu.memref_slice %arg6[%dma_start3A_504, %dma_start3A_505, %dma_start3A_506] : memref<8x50x64xf32, #tpu.memory_space<vmem>> -> memref<1x50x64xf32, #tpu.memory_space<vmem>>
        %dma_start3A_508 = tpu.memref_squeeze %dma_start3A_507 : memref<1x50x64xf32, #tpu.memory_space<vmem>> -> memref<50x64xf32, #tpu.memory_space<vmem>>
        %dma_start3A_509 = arith.constant 0 : i32
        %dma_start3A_510 = tpu.memref_slice %arg5[%add3A_503, %dma_start3A_509] : memref<512x50xi32, #tpu.memory_space<vmem>> -> memref<1x50xi32, #tpu.memory_space<vmem>>
        %dma_start3A_511 = tpu.memref_squeeze %dma_start3A_510 : memref<1x50xi32, #tpu.memory_space<vmem>> -> memref<50xi32, #tpu.memory_space<vmem>>
        %dma_start3A_512 = arith.constant 0 : i32
        %dma_start3A_513 = arith.constant 0 : i32
        %dma_start3A_514 = tpu.memref_slice %arg3[%dma_start3A_512, %dma_start3A_513] : memref<1000000x64xf32, #tpu.memory_space<hbm>> -> memref<1000000x64xf32, #tpu.memory_space<hbm>>
        tpu.enqueue_indirect_dma source(%dma_start3A_514 : memref<1000000x64xf32, #tpu.memory_space<hbm>>) target(%dma_start3A_508 : memref<50x64xf32, #tpu.memory_space<vmem>>) offsets(%dma_start3A_511 : memref<50xi32, #tpu.memory_space<vmem>>) semaphore(%arg8 : memref<!tpu.dma_semaphore, #tpu.memory_space<semaphore_mem>>)
      } else {
      }
      %mul3A_264 = arith.constant 8 : i32
      %mul3A_265 = arith.muli %add3A_253, %mul3A_264 : i32
      %add3A_266 = arith.constant 0 : i32
      %add3A_267 = arith.addi %mul3A_265, %add3A_266 : i32
      %dma_wait3A_268 = arith.constant 0 : i32
      %dma_wait3A_269 = arith.constant 0 : i32
      %dma_wait3A_270 = arith.constant 0 : i32
      %dma_wait3A_271 = tpu.memref_slice %arg7[%dma_wait3A_268, %dma_wait3A_269, %dma_wait3A_270] : memref<8x50x64xf32, #tpu.memory_space<vmem>> -> memref<1x50x64xf32, #tpu.memory_space<vmem>>
      %dma_wait3A_272 = tpu.memref_squeeze %dma_wait3A_271 : memref<1x50x64xf32, #tpu.memory_space<vmem>> -> memref<50x64xf32, #tpu.memory_space<vmem>>
      %dma_wait3A_273 = arith.constant 0 : i32
      %dma_wait3A_274 = tpu.memref_slice %arg5[%add3A_267, %dma_wait3A_273] : memref<512x50xi32, #tpu.memory_space<vmem>> -> memref<1x50xi32, #tpu.memory_space<vmem>>
      %dma_wait3A_275 = tpu.memref_squeeze %dma_wait3A_274 : memref<1x50xi32, #tpu.memory_space<vmem>> -> memref<50xi32, #tpu.memory_space<vmem>>
      %dma_wait3A_276 = arith.constant 0 : i32
      %dma_wait3A_277 = arith.constant 0 : i32
      %dma_wait3A_278 = tpu.memref_slice %arg3[%dma_wait3A_276, %dma_wait3A_277] : memref<1000000x64xf32, #tpu.memory_space<hbm>> -> memref<1000000x64xf32, #tpu.memory_space<hbm>>
      tpu.wait_indirect_dma semaphore(%arg9 : memref<!tpu.dma_semaphore, #tpu.memory_space<semaphore_mem>>) src(%dma_wait3A_278 : memref<1000000x64xf32, #tpu.memory_space<hbm>>) dst(%dma_wait3A_272 : memref<50x64xf32, #tpu.memory_space<vmem>>)
      %mul3A_279 = arith.constant 8 : i32
      %mul3A_280 = arith.muli %add3A_253, %mul3A_279 : i32
      %add3A_281 = arith.constant 1 : i32
      %add3A_282 = arith.addi %mul3A_280, %add3A_281 : i32
      %dma_wait3A_283 = arith.constant 1 : i32
      %dma_wait3A_284 = arith.constant 0 : i32
      %dma_wait3A_285 = arith.constant 0 : i32
      %dma_wait3A_286 = tpu.memref_slice %arg7[%dma_wait3A_283, %dma_wait3A_284, %dma_wait3A_285] : memref<8x50x64xf32, #tpu.memory_space<vmem>> -> memref<1x50x64xf32, #tpu.memory_space<vmem>>
      %dma_wait3A_287 = tpu.memref_squeeze %dma_wait3A_286 : memref<1x50x64xf32, #tpu.memory_space<vmem>> -> memref<50x64xf32, #tpu.memory_space<vmem>>
      %dma_wait3A_288 = arith.constant 0 : i32
      %dma_wait3A_289 = tpu.memref_slice %arg5[%add3A_282, %dma_wait3A_288] : memref<512x50xi32, #tpu.memory_space<vmem>> -> memref<1x50xi32, #tpu.memory_space<vmem>>
      %dma_wait3A_290 = tpu.memref_squeeze %dma_wait3A_289 : memref<1x50xi32, #tpu.memory_space<vmem>> -> memref<50xi32, #tpu.memory_space<vmem>>
      %dma_wait3A_291 = arith.constant 0 : i32
      %dma_wait3A_292 = arith.constant 0 : i32
      %dma_wait3A_293 = tpu.memref_slice %arg3[%dma_wait3A_291, %dma_wait3A_292] : memref<1000000x64xf32, #tpu.memory_space<hbm>> -> memref<1000000x64xf32, #tpu.memory_space<hbm>>
      tpu.wait_indirect_dma semaphore(%arg9 : memref<!tpu.dma_semaphore, #tpu.memory_space<semaphore_mem>>) src(%dma_wait3A_293 : memref<1000000x64xf32, #tpu.memory_space<hbm>>) dst(%dma_wait3A_287 : memref<50x64xf32, #tpu.memory_space<vmem>>)
      %mul3A_294 = arith.constant 8 : i32
      %mul3A_295 = arith.muli %add3A_253, %mul3A_294 : i32
      %add3A_296 = arith.constant 2 : i32
      %add3A_297 = arith.addi %mul3A_295, %add3A_296 : i32
      %dma_wait3A_298 = arith.constant 2 : i32
      %dma_wait3A_299 = arith.constant 0 : i32
      %dma_wait3A_300 = arith.constant 0 : i32
      %dma_wait3A_301 = tpu.memref_slice %arg7[%dma_wait3A_298, %dma_wait3A_299, %dma_wait3A_300] : memref<8x50x64xf32, #tpu.memory_space<vmem>> -> memref<1x50x64xf32, #tpu.memory_space<vmem>>
      %dma_wait3A_302 = tpu.memref_squeeze %dma_wait3A_301 : memref<1x50x64xf32, #tpu.memory_space<vmem>> -> memref<50x64xf32, #tpu.memory_space<vmem>>
      %dma_wait3A_303 = arith.constant 0 : i32
      %dma_wait3A_304 = tpu.memref_slice %arg5[%add3A_297, %dma_wait3A_303] : memref<512x50xi32, #tpu.memory_space<vmem>> -> memref<1x50xi32, #tpu.memory_space<vmem>>
      %dma_wait3A_305 = tpu.memref_squeeze %dma_wait3A_304 : memref<1x50xi32, #tpu.memory_space<vmem>> -> memref<50xi32, #tpu.memory_space<vmem>>
      %dma_wait3A_306 = arith.constant 0 : i32
      %dma_wait3A_307 = arith.constant 0 : i32
      %dma_wait3A_308 = tpu.memref_slice %arg3[%dma_wait3A_306, %dma_wait3A_307] : memref<1000000x64xf32, #tpu.memory_space<hbm>> -> memref<1000000x64xf32, #tpu.memory_space<hbm>>
      tpu.wait_indirect_dma semaphore(%arg9 : memref<!tpu.dma_semaphore, #tpu.memory_space<semaphore_mem>>) src(%dma_wait3A_308 : memref<1000000x64xf32, #tpu.memory_space<hbm>>) dst(%dma_wait3A_302 : memref<50x64xf32, #tpu.memory_space<vmem>>)
      %mul3A_309 = arith.constant 8 : i32
      %mul3A_310 = arith.muli %add3A_253, %mul3A_309 : i32
      %add3A_311 = arith.constant 3 : i32
      %add3A_312 = arith.addi %mul3A_310, %add3A_311 : i32
      %dma_wait3A_313 = arith.constant 3 : i32
      %dma_wait3A_314 = arith.constant 0 : i32
      %dma_wait3A_315 = arith.constant 0 : i32
      %dma_wait3A_316 = tpu.memref_slice %arg7[%dma_wait3A_313, %dma_wait3A_314, %dma_wait3A_315] : memref<8x50x64xf32, #tpu.memory_space<vmem>> -> memref<1x50x64xf32, #tpu.memory_space<vmem>>
      %dma_wait3A_317 = tpu.memref_squeeze %dma_wait3A_316 : memref<1x50x64xf32, #tpu.memory_space<vmem>> -> memref<50x64xf32, #tpu.memory_space<vmem>>
      %dma_wait3A_318 = arith.constant 0 : i32
      %dma_wait3A_319 = tpu.memref_slice %arg5[%add3A_312, %dma_wait3A_318] : memref<512x50xi32, #tpu.memory_space<vmem>> -> memref<1x50xi32, #tpu.memory_space<vmem>>
      %dma_wait3A_320 = tpu.memref_squeeze %dma_wait3A_319 : memref<1x50xi32, #tpu.memory_space<vmem>> -> memref<50xi32, #tpu.memory_space<vmem>>
      %dma_wait3A_321 = arith.constant 0 : i32
      %dma_wait3A_322 = arith.constant 0 : i32
      %dma_wait3A_323 = tpu.memref_slice %arg3[%dma_wait3A_321, %dma_wait3A_322] : memref<1000000x64xf32, #tpu.memory_space<hbm>> -> memref<1000000x64xf32, #tpu.memory_space<hbm>>
      tpu.wait_indirect_dma semaphore(%arg9 : memref<!tpu.dma_semaphore, #tpu.memory_space<semaphore_mem>>) src(%dma_wait3A_323 : memref<1000000x64xf32, #tpu.memory_space<hbm>>) dst(%dma_wait3A_317 : memref<50x64xf32, #tpu.memory_space<vmem>>)
      %mul3A_324 = arith.constant 8 : i32
      %mul3A_325 = arith.muli %add3A_253, %mul3A_324 : i32
      %add3A_326 = arith.constant 4 : i32
      %add3A_327 = arith.addi %mul3A_325, %add3A_326 : i32
      %dma_wait3A_328 = arith.constant 4 : i32
      %dma_wait3A_329 = arith.constant 0 : i32
      %dma_wait3A_330 = arith.constant 0 : i32
      %dma_wait3A_331 = tpu.memref_slice %arg7[%dma_wait3A_328, %dma_wait3A_329, %dma_wait3A_330] : memref<8x50x64xf32, #tpu.memory_space<vmem>> -> memref<1x50x64xf32, #tpu.memory_space<vmem>>
      %dma_wait3A_332 = tpu.memref_squeeze %dma_wait3A_331 : memref<1x50x64xf32, #tpu.memory_space<vmem>> -> memref<50x64xf32, #tpu.memory_space<vmem>>
      %dma_wait3A_333 = arith.constant 0 : i32
      %dma_wait3A_334 = tpu.memref_slice %arg5[%add3A_327, %dma_wait3A_333] : memref<512x50xi32, #tpu.memory_space<vmem>> -> memref<1x50xi32, #tpu.memory_space<vmem>>
      %dma_wait3A_335 = tpu.memref_squeeze %dma_wait3A_334 : memref<1x50xi32, #tpu.memory_space<vmem>> -> memref<50xi32, #tpu.memory_space<vmem>>
      %dma_wait3A_336 = arith.constant 0 : i32
      %dma_wait3A_337 = arith.constant 0 : i32
      %dma_wait3A_338 = tpu.memref_slice %arg3[%dma_wait3A_336, %dma_wait3A_337] : memref<1000000x64xf32, #tpu.memory_space<hbm>> -> memref<1000000x64xf32, #tpu.memory_space<hbm>>
      tpu.wait_indirect_dma semaphore(%arg9 : memref<!tpu.dma_semaphore, #tpu.memory_space<semaphore_mem>>) src(%dma_wait3A_338 : memref<1000000x64xf32, #tpu.memory_space<hbm>>) dst(%dma_wait3A_332 : memref<50x64xf32, #tpu.memory_space<vmem>>)
      %mul3A_339 = arith.constant 8 : i32
      %mul3A_340 = arith.muli %add3A_253, %mul3A_339 : i32
      %add3A_341 = arith.constant 5 : i32
      %add3A_342 = arith.addi %mul3A_340, %add3A_341 : i32
      %dma_wait3A_343 = arith.constant 5 : i32
      %dma_wait3A_344 = arith.constant 0 : i32
      %dma_wait3A_345 = arith.constant 0 : i32
      %dma_wait3A_346 = tpu.memref_slice %arg7[%dma_wait3A_343, %dma_wait3A_344, %dma_wait3A_345] : memref<8x50x64xf32, #tpu.memory_space<vmem>> -> memref<1x50x64xf32, #tpu.memory_space<vmem>>
      %dma_wait3A_347 = tpu.memref_squeeze %dma_wait3A_346 : memref<1x50x64xf32, #tpu.memory_space<vmem>> -> memref<50x64xf32, #tpu.memory_space<vmem>>
      %dma_wait3A_348 = arith.constant 0 : i32
      %dma_wait3A_349 = tpu.memref_slice %arg5[%add3A_342, %dma_wait3A_348] : memref<512x50xi32, #tpu.memory_space<vmem>> -> memref<1x50xi32, #tpu.memory_space<vmem>>
      %dma_wait3A_350 = tpu.memref_squeeze %dma_wait3A_349 : memref<1x50xi32, #tpu.memory_space<vmem>> -> memref<50xi32, #tpu.memory_space<vmem>>
      %dma_wait3A_351 = arith.constant 0 : i32
      %dma_wait3A_352 = arith.constant 0 : i32
      %dma_wait3A_353 = tpu.memref_slice %arg3[%dma_wait3A_351, %dma_wait3A_352] : memref<1000000x64xf32, #tpu.memory_space<hbm>> -> memref<1000000x64xf32, #tpu.memory_space<hbm>>
      tpu.wait_indirect_dma semaphore(%arg9 : memref<!tpu.dma_semaphore, #tpu.memory_space<semaphore_mem>>) src(%dma_wait3A_353 : memref<1000000x64xf32, #tpu.memory_space<hbm>>) dst(%dma_wait3A_347 : memref<50x64xf32, #tpu.memory_space<vmem>>)
      %mul3A_354 = arith.constant 8 : i32
      %mul3A_355 = arith.muli %add3A_253, %mul3A_354 : i32
      %add3A_356 = arith.constant 6 : i32
      %add3A_357 = arith.addi %mul3A_355, %add3A_356 : i32
      %dma_wait3A_358 = arith.constant 6 : i32
      %dma_wait3A_359 = arith.constant 0 : i32
      %dma_wait3A_360 = arith.constant 0 : i32
      %dma_wait3A_361 = tpu.memref_slice %arg7[%dma_wait3A_358, %dma_wait3A_359, %dma_wait3A_360] : memref<8x50x64xf32, #tpu.memory_space<vmem>> -> memref<1x50x64xf32, #tpu.memory_space<vmem>>
      %dma_wait3A_362 = tpu.memref_squeeze %dma_wait3A_361 : memref<1x50x64xf32, #tpu.memory_space<vmem>> -> memref<50x64xf32, #tpu.memory_space<vmem>>
      %dma_wait3A_363 = arith.constant 0 : i32
      %dma_wait3A_364 = tpu.memref_slice %arg5[%add3A_357, %dma_wait3A_363] : memref<512x50xi32, #tpu.memory_space<vmem>> -> memref<1x50xi32, #tpu.memory_space<vmem>>
      %dma_wait3A_365 = tpu.memref_squeeze %dma_wait3A_364 : memref<1x50xi32, #tpu.memory_space<vmem>> -> memref<50xi32, #tpu.memory_space<vmem>>
      %dma_wait3A_366 = arith.constant 0 : i32
      %dma_wait3A_367 = arith.constant 0 : i32
      %dma_wait3A_368 = tpu.memref_slice %arg3[%dma_wait3A_366, %dma_wait3A_367] : memref<1000000x64xf32, #tpu.memory_space<hbm>> -> memref<1000000x64xf32, #tpu.memory_space<hbm>>
      tpu.wait_indirect_dma semaphore(%arg9 : memref<!tpu.dma_semaphore, #tpu.memory_space<semaphore_mem>>) src(%dma_wait3A_368 : memref<1000000x64xf32, #tpu.memory_space<hbm>>) dst(%dma_wait3A_362 : memref<50x64xf32, #tpu.memory_space<vmem>>)
      %mul3A_369 = arith.constant 8 : i32
      %mul3A_370 = arith.muli %add3A_253, %mul3A_369 : i32
      %add3A_371 = arith.constant 7 : i32
      %add3A_372 = arith.addi %mul3A_370, %add3A_371 : i32
      %dma_wait3A_373 = arith.constant 7 : i32
      %dma_wait3A_374 = arith.constant 0 : i32
      %dma_wait3A_375 = arith.constant 0 : i32
      %dma_wait3A_376 = tpu.memref_slice %arg7[%dma_wait3A_373, %dma_wait3A_374, %dma_wait3A_375] : memref<8x50x64xf32, #tpu.memory_space<vmem>> -> memref<1x50x64xf32, #tpu.memory_space<vmem>>
      %dma_wait3A_377 = tpu.memref_squeeze %dma_wait3A_376 : memref<1x50x64xf32, #tpu.memory_space<vmem>> -> memref<50x64xf32, #tpu.memory_space<vmem>>
      %dma_wait3A_378 = arith.constant 0 : i32
      %dma_wait3A_379 = tpu.memref_slice %arg5[%add3A_372, %dma_wait3A_378] : memref<512x50xi32, #tpu.memory_space<vmem>> -> memref<1x50xi32, #tpu.memory_space<vmem>>
      %dma_wait3A_380 = tpu.memref_squeeze %dma_wait3A_379 : memref<1x50xi32, #tpu.memory_space<vmem>> -> memref<50xi32, #tpu.memory_space<vmem>>
      %dma_wait3A_381 = arith.constant 0 : i32
      %dma_wait3A_382 = arith.constant 0 : i32
      %dma_wait3A_383 = tpu.memref_slice %arg3[%dma_wait3A_381, %dma_wait3A_382] : memref<1000000x64xf32, #tpu.memory_space<hbm>> -> memref<1000000x64xf32, #tpu.memory_space<hbm>>
      tpu.wait_indirect_dma semaphore(%arg9 : memref<!tpu.dma_semaphore, #tpu.memory_space<semaphore_mem>>) src(%dma_wait3A_383 : memref<1000000x64xf32, #tpu.memory_space<hbm>>) dst(%dma_wait3A_377 : memref<50x64xf32, #tpu.memory_space<vmem>>)
      %mul3A_384 = arith.constant 8 : i32
      %mul3A_385 = arith.muli %add3A_253, %mul3A_384 : i32
      %add3A_386 = arith.addi %mul3A_2, %mul3A_385 : i32
      %dma_start3A_387 = arith.constant 0 : i32
      %dma_start3A_388 = arith.constant 0 : i32
      %dma_start3A_389 = tpu.memref_slice %arg4[%add3A_386, %dma_start3A_387, %dma_start3A_388] : memref<16384x50x64xf32, #tpu.memory_space<hbm>> -> memref<8x50x64xf32, #tpu.memory_space<hbm>>
      %dma_start3A_390 = arith.constant 0 : i32
      %dma_start3A_391 = arith.constant 0 : i32
      %dma_start3A_392 = tpu.memref_slice %arg4[%add3A_386, %dma_start3A_390, %dma_start3A_391] : memref<16384x50x64xf32, #tpu.memory_space<hbm>> -> memref<8x50x64xf32, #tpu.memory_space<hbm>>
      tpu.enqueue_dma source(%arg7 : memref<8x50x64xf32, #tpu.memory_space<vmem>>) target(%dma_start3A_392 : memref<8x50x64xf32, #tpu.memory_space<hbm>>) target_semaphore(%arg11 : memref<!tpu.dma_semaphore, #tpu.memory_space<semaphore_mem>>)
    }
    %scan3A_102 = arith.constant 32 : i32
    %add3A_103 = arith.constant 504 : i32
    %add3A_104 = arith.addi %mul3A_2, %add3A_103 : i32
    %dma_wait3A = arith.constant 0 : i32
    %dma_wait3A_105 = arith.constant 0 : i32
    %dma_wait3A_106 = tpu.memref_slice %arg4[%add3A_104, %dma_wait3A, %dma_wait3A_105] : memref<16384x50x64xf32, #tpu.memory_space<hbm>> -> memref<8x50x64xf32, #tpu.memory_space<hbm>>
    %dma_wait3A_107 = arith.constant 0 : i32
    %dma_wait3A_108 = arith.constant 0 : i32
    %dma_wait3A_109 = tpu.memref_slice %arg4[%add3A_104, %dma_wait3A_107, %dma_wait3A_108] : memref<16384x50x64xf32, #tpu.memory_space<hbm>> -> memref<8x50x64xf32, #tpu.memory_space<hbm>>
    tpu.wait_dma2 semaphore(%arg11 : memref<!tpu.dma_semaphore, #tpu.memory_space<semaphore_mem>>) src(%arg7 : memref<8x50x64xf32, #tpu.memory_space<vmem>>) dst(%dma_wait3A_109 : memref<8x50x64xf32, #tpu.memory_space<hbm>>)
    return
  }
}

</mosaic_0001>

<sc_bundles>
// kernel: kernel.3.cloned.1.call-start
scs
__scs_entry_jumppad:
0x0: {  	(pc) =	sbr.rel $0x88, $3  }
0x1: {  	(tag) =	ssettag $0x0;
	lr =	simm.s32 $0x1  }
0x2: {  	[smem:$0x3F9F] =	sst lr;
	_ =	strace $0xD0000000  }
0x3: {  	_ = 	snop  }
0x4: {  	_ = 	snop  }
0x5: {  	_ = 	snop  }
0x6: {  	_ = 	snop  }
0x7: {  	_ = 	snop  }
__scs_overlays_trampoline_lowered:
0x8: {  	[smem:$0x3FAE] =	sst s0  }
0x9: {  	[smem:$0x3FAF] =	sst s1  }
0xa: {  	[smem:$0x3FB0] =	sst s2  }
0xb: {  	[smem:$0x3FB1] =	sst s3  }
0xc: {  	[smem:$0x3FB2] =	sst s4  }
0xd: {  	[smem:$0x3FB3] =	sst s5  }
0xe: {  	[smem:$0x3FB4] =	sst s6  }
0xf: {  	[smem:$0x3FB5] =	sst s7  }
0x10: {  	[smem:$0x3FB6] =	sst s8  }
0x11: {  	[smem:$0x3FB7] =	sst s9;
	s0 =	simm.s32 @!p0 $0x0  }
0x12: {  	s1 =	sld [smem:$0x3F9D];
	s0 =	simm.s32 @p0 $0x1  }
0x13: {  	[smem:$0x3FB8] =	sst s0;
	s0 =	simm.s32 @!p1 $0x0  }
0x14: {  	s2 =	sld [smem:$0x3F9C];
	s0 =	simm.s32 @p1 $0x1  }
0x15: {  	[smem:$0x3FB9] =	sst s0;
	s0 =	simm.s32 @!p2 $0x0  }
0x16: {  	s3 =	sld [smem:$0x3FDB];
	s0 =	simm.s32 @p2 $0x1  }
0x17: {  	s4 =	simm.s32 $0x1BF5;
	[smem:$0x3FBB] =	sst s0  }
0x18: {  	s0 =	sld [smem:$0x3F9E];
	_ =	swait.ge [sflag:s4], $0x0  }
0x19: {  	s7 =	sld [smem:$0x3F9F]  }
0x1a: {  	s8 =	sadd.s32 $0xFFFFE003, lr  }
0x1b: {  	s9 =	sadd.s32 $0xFFFFFEF7, lr;
	s5 =	simm.s32 $0xFFFFFFFF;
	p2 =	slt.u32 s8, $0xFFFFF086  }
0x1c: {  	p1 =	slt.u32 s9, $0xF7A;
	s5 =	simm.s32 @!p2 $0x0  }
0x1d: {  	s5 =	simm.s32 @p1 $0x1;
	p0 =	seq.s32 s7, s2  }
0x1e: {  	s7 =	smul.u32 @!p0 $0xF7A, s2;
	p2 =	seq.s32 @!p0 s5, $0x0  }
0x1f: {  	s9 =	smul.u32 $0xF7A, s1;
	s8 =	simm.s32 @!p0 $0x1BF5;
	p2 =	por !p2, p0  }
0x20: {  	[sflag:s8] =	ssyncset.s32 @!p0 $0xFFFFF086;
	s6 =	sadd.s32 @!p0 s3, s7;
	s7 =	simm.s32 @!p0 $0x108  }
0x21: {  	s3 =	sadd.s32 s3, s9;
	s6 =	sadd.s32 @!p0 $0x88, s6;
	s7 =	simm.s32 @p2 $0x1082  }
0x22: {  	[simem:s7], [sflag:s8] =	dma.local @!p0 [hbm:s6], $0xF7A  }
0x23: {  	s9 =	sor.u32 $0xD0000000, s2;
	s6 =	simm.s32 $0x108;
	_ =	swait.ge @!p0 [sflag:s8], $0x0  }
0x24: {  	s3 =	sadd.s32 $0x88, s3;
	s6 =	simm.s32 @!p1 $0x1082;
	[sflag:s4] =	ssyncset.s32 $0xFFFFF086  }
0x25: {  	[simem:s6], [sflag:s4] =	dma.local [hbm:s3], $0xF7A  }
0x26: {  	[smem:$0x3F9F] =	sst s1;
	(tag) =	ssettag s2;
	_ =	strace s9  }
0x27: {  	s1 =	sld [smem:$0x3FAF]  }
0x28: {  	s2 =	sld [smem:$0x3FB0]  }
0x29: {  	s4 =	sld [smem:$0x3FB2]  }
0x2a: {  	p0 =	seq.s32 s5, $0x0;
	s5 =	sld [smem:$0x3FB3]  }
0x2b: {  	s6 =	sld [smem:$0x3FB4]  }
0x2c: {  	s7 =	sld [smem:$0x3FB5]  }
0x2d: {  	s3 =	simm.s32 $0x108;
	s8 =	sld [smem:$0x3FB6]  }
0x2e: {  	s3 =	simm.s32 @!p0 $0x1082;
	s9 =	sld [smem:$0x3FB7]  }
0x2f: {  	lr =	sadd.s32 s0, s3;
	s0 =	sld [smem:$0x3FAE]  }
0x30: {  	s3 =	sld [smem:$0x3FB1]  }
0x31: {  	[smem:$0x3FBA] =	sst s10  }
0x32: {  	s10 =	sld [smem:$0x3FB8];
	_ =	sdelay $0x3  }
0x33: {  	p0 =	seq.s32 s10, $0x1;
	s10 =	sld [smem:$0x3FBA];
	_ =	sdelay $0x3  }
0x34: {  	[smem:$0x3FBA] =	sst s10  }
0x35: {  	s10 =	sld [smem:$0x3FB9];
	_ =	sdelay $0x3  }
0x36: {  	p1 =	seq.s32 s10, $0x1;
	s10 =	sld [smem:$0x3FBA];
	_ =	sdelay $0x3  }
0x37: {  	[smem:$0x3FBA] =	sst s10  }
0x38: {  	s10 =	sld [smem:$0x3FBB]  }
0x39: {  	_ = 	snop;
	(pc) =	sbr.ind lr, $3  }
0x3a: {  	_ = 	snop  }
0x3b: {  	_ = 	snop  }
0x3c: {  	p2 =	seq.s32 s10, $0x1;
	s10 =	sld [smem:$0x3FBA]  }
0x3d: {  	_ =	shalt  }
0x3e: {  	_ =	shalt  }
0x3f: {  	_ =	shalt  }
0x40: {  	_ =	shalt  }
0x41: {  	_ =	shalt  }
0x42: {  	_ =	shalt  }
0x43: {  	_ =	shalt  }
0x44: {  	_ =	shalt  }
0x45: {  	_ =	shalt  }
0x46: {  	_ =	shalt  }
0x47: {  	_ =	shalt  }
0x48: {  	_ =	shalt  }
0x49: {  	_ =	shalt  }
0x4a: {  	_ =	shalt  }
0x4b: {  	_ =	shalt  }
0x4c: {  	_ =	shalt  }
0x4d: {  	_ =	shalt  }
0x4e: {  	_ =	shalt  }
0x4f: {  	_ =	shalt  }
0x50: {  	_ =	shalt  }
0x51: {  	_ =	shalt  }
0x52: {  	_ =	shalt  }
0x53: {  	_ =	shalt  }
0x54: {  	_ =	shalt  }
0x55: {  	_ =	shalt  }
0x56: {  	_ =	shalt  }
0x57: {  	_ =	shalt  }
0x58: {  	_ =	shalt  }
0x59: {  	_ =	shalt  }
0x5a: {  	_ =	shalt  }
0x5b: {  	_ =	shalt  }
0x5c: {  	_ =	shalt  }
0x5d: {  	_ =	shalt  }
0x5e: {  	_ =	shalt  }
0x5f: {  	_ =	shalt  }
0x60: {  	_ =	shalt  }
0x61: {  	_ =	shalt  }
0x62: {  	_ =	shalt  }
0x63: {  	_ =	shalt  }
0x64: {  	_ =	shalt  }
0x65: {  	_ =	shalt  }
0x66: {  	_ =	shalt  }
0x67: {  	_ =	shalt  }
0x68: {  	_ =	shalt  }
0x69: {  	_ =	shalt  }
0x6a: {  	_ =	shalt  }
0x6b: {  	_ =	shalt  }
0x6c: {  	_ =	shalt  }
0x6d: {  	_ =	shalt  }
0x6e: {  	_ =	shalt  }
0x6f: {  	_ =	shalt  }
0x70: {  	_ =	shalt  }
0x71: {  	_ =	shalt  }
0x72: {  	_ =	shalt  }
0x73: {  	_ =	shalt  }
0x74: {  	_ =	shalt  }
0x75: {  	_ =	shalt  }
0x76: {  	_ =	shalt  }
0x77: {  	_ =	shalt  }
0x78: {  	_ =	shalt  }
0x79: {  	_ =	shalt  }
0x7a: {  	_ =	shalt  }
0x7b: {  	_ =	shalt  }
0x7c: {  	_ =	shalt  }
0x7d: {  	_ =	shalt  }
0x7e: {  	_ =	shalt  }
0x7f: {  	_ =	shalt  }
0x80: {  	_ =	shalt  }
0x81: {  	_ =	shalt  }
0x82: {  	_ =	shalt  }
0x83: {  	_ =	shalt  }
0x84: {  	_ =	shalt  }
0x85: {  	_ =	shalt  }
0x86: {  	_ =	shalt  }
0x87: {  	_ =	shalt  }
.Lfunc_end0:
.L_simem_size_0:
called_computation.1_lowered:
.L_overlay_start_0:
0x88: {  	s2 =	sld [smem:$0x3FD9]  }
0x89: {  	s3 =	sld [smem:$0x3FFE];
	_ =	sdelay $0x1  }
0x8a: {  	s1 =	srdreg.scid  }
0x8b: {  	s0 =	sand.u32 $0x1, s1  }
0x8c: {  	s17 =	sshll.u32 s0, $0xA;
	s2 =	sadd.s32 s3, s2  }
0x8d: {  	s2 =	sadd.s32 s2, s17  }
0x8e: {  	[smem:$0x3FC6] =	sst s2  }
0x8f: {  	_ = 	snop  }
0x90: {  	s2 =	sld [smem:$0x3FD0];
	(tm) =	ssettm $0x1  }
0x91: {  	s18 =	sld [smem:$0x3FFB];
	_ =	sdelay $0x3  }
0x92: {  	_ =	strace s18  }
0x93: {  	s3 =	sld [smem:$0x3FFC];
	_ =	sdelay $0x3  }
0x94: {  	_ =	strace s3  }
0x95: {  	s3 =	sld [smem:$0x3FFD];
	_ =	sdelay $0x3  }
0x96: {  	_ =	strace s3  }
0x97: {  	_ =	strace $0x8FFFFFFF  }
0x98: {  	s19 =	sld [smem:$0x3FDB];
	_ =	sdelay $0x1  }
0x99: {  	s4 =	simm.s32 $_scs_section_size  }
0x9a: {  	s5 =	simm.s32 $_size__tile_overlayer_lowered;
	s6 =	simm.s32 $_tile_overlayer_lowered  }
0x9b: {  	s22 =	simm.s32 $0x1BFF;
	s21 =	sshll.u32 s6, $0x1;
	s3 =	sadd.s32 s4, s19  }
0x9c: {  	s7 =	simm.s32 $0x0;
	s20 =	sshll.u32 s5, $0x1;
	s5 =	sadd.s32 s21, s3  }
0x9d: {  	[timem:s7], [sflag:s22] =	dma.local [hbm:s5], s20  }
0x9e: {  	_ =	swait.ge [sflag:s22], s20  }
0x9f: {  	s4 =	ssub.s32 $0x0, s20;
	[sflag:s22] =	ssyncset.done $0x0  }
0xa0: {  	[sflag:s22] =	ssyncadd.s32 s4;
	_ =	sdelay $0x1  }
0xa1: {  	s23 =	simm.s32 $0x1B8B  }
0xa2: {  	_ =	swait.ge [sflag:s23], $0x1  }
0xa3: {  	[sflag:s23] =	ssyncset.done $0x0  }
0xa4: {  	s25 =	simm.s32 $0x1B8E;
	s24 =	sld [smem:$0x3FFE];
	[sflag:s23] =	ssyncadd.s32 $0xFFFFFFFF  }
0xa5: {  	s26 =	simm.s32 $execute0_lowered;
	[smem:$0x3FD2] =	sst s25  }
0xa6: {  	s5 =	sshll.u32 s26, $0x1;
	_ =	strace $0x80000046;
	[dreg:$0x1] =	wrdreg $0xFFFFFFFF  }
0xa7: {  	s28 =	simm.s32 $_size_execute0_lowered;
	s3 =	sadd.s32 s3, s5;
	[dreg:$0x0] =	wrdreg $0x0  }
0xa8: {  	s5 =	sshll.u32 s28, $0x1;
	[dreg:$0x2] =	wrdreg s3  }
0xa9: {  	[dreg:$0x3] =	wrdreg s5  }
0xaa: {  	[dreg:$0x4] =	wrdreg $0xC0  }
0xab: {  	_ =	task [dreg:s7], $0x5FFFF  }
0xac: {  	[dreg:$0x1] =	wrdreg $0xFFFFFFFF  }
0xad: {  	[dreg:$0x0] =	wrdreg $0x60  }
0xae: {  	[dreg:$0x2] =	wrdreg s24  }
0xaf: {  	[dreg:$0x3] =	wrdreg s2  }
0xb0: {  	[dreg:$0x4] =	wrdreg $0x9  }
0xb1: {  	_ =	task.clear_ibuf [dreg:s7], $0x5FFFF;
	_ =	strace $0x90000046  }
0xb2: {  	s29 =	simm.s32 $0x9;
	_ =	strace $0x80000048  }
0xb3: {  	_ =	swait.ge [sflag:s29], $0x1  }
0xb4: {  	[sflag:s29] =	ssyncadd.s32 $0xFFFFFFFF  }
0xb5: {  	_ =	strace $0x90000048  }
0xb6: {  	_ =	sfence  }
0xb7: {  	s30 =	sld [smem:$0x0];
	_ =	sdelay $0x2  }
0xb8: {  	s31 =	sshll.u32 s1, $0xD;
	s1 =	sshrl.u32 s1, $0x2  }
0xb9: {  	s3 =	sand.u32 $0x4000, s31;
	s1 =	sadd.s32 s1, s30  }
0xba: {  	s0 =	sor.u32 s3, s0;
	s1 =	sshll.u32 s1, $0x11  }
0xbb: {  	s0 =	sor.u32 s1, s0  }
0xbc: {  	s0 =	sadd.s32 $0x8F2B, s0  }
0xbd: {  	[sflag:s0] =	ssyncadd.remote.s32 $0x1  }
0xbe: {  	_ =	sfence.sel $0xFFFF  }
0xbf: {  	[dreg:$0x0] =	wrdreg $0xFFFFFFFF;
	(pc) =	sbr.abs _section_cstart, $3  }
0xc0: {  	[dreg:$0x1] =	wrdreg $0xFFFFFFFF  }
0xc1: {  	_ =	task.clear_ibuf [dreg:s7], $0x2FFFF;
	_ =	strace $0x9FFFFFFF  }
0xc2: {  	(tm) =	ssettm $0x7FFFFFFF  }
0xc3: {  	_ =	shalt  }
tec
execute0_lowered:
.L_overlay_start_1:
0x0: {  	(tag) =	ssettag $0x1  }
0x1: {  	s0 =	rddreg [dreg:$0x0];
	s1 =	srdreg.scid  }
0x2: {  	s7 =	stileid.u32;
	s5 =	rddreg [dreg:$0x1];
	s2 =	simm.s32 $0x0  }
0x3: {  	s8 =	simm.s32 $0x32;
	s9 =	simm.s32 $0x7000;
	s21 =	simm.s32 $0xE080  }
0x4: {  	s22 =	simm.s32 $0xED00;
	s23 =	simm.s32 $0xF980;
	s24 =	simm.s32 $0x10600  }
0x5: {  	s25 =	simm.s32 $0x11280;
	s26 =	simm.s32 $0x11F00;
	s31 =	simm.s32 $0x12B80  }
0x6: {  	s28 =	simm.s32 $0x2;
	s29 =	simm.s32 $0x4;
	[smem:$0x7FF] =	sst s2  }
0x7: {  	s30 =	simm.s32 $0x0;
	_ =	strace $0x80000047;
	[dreg:$0x3] =	wrdreg s21  }
0x8: {  	s1 =	sand.u32 $0x1, s1;
	s3 =	sshll.u32 s7, $0x1;
	[dreg:$0x4] =	wrdreg s22  }
0x9: {  	s7 =	smul.u32 $0x64000, s7;
	s3 =	sor.u32 s1, s3;
	[dreg:$0x5] =	wrdreg s23  }
0xa: {  	s6 =	ssub.s32 $0x2, s1;
	s1 =	smul.u32 $0x32000, s1;
	[dreg:$0x6] =	wrdreg s24  }
0xb: {  	s21 =	simm.s32 $0xBB00;
	s22 =	simm.s32 $0x188;
	[dreg:$0x7] =	wrdreg s25  }
0xc: {  	s23 =	simm.s32 $0xC780;
	s24 =	simm.s32 $0xD400;
	[dreg:$0x8] =	wrdreg s26  }
0xd: {  	[dreg:$0x9] =	wrdreg s31;
	s25 =	simm.s32 $0x1;
	s3 =	smul.u32 $0xE00, s3  }
0xe: {  	s26 =	simm.s32 $0x3;
	s19 =	sshrl.u32 s6, $0x1;
	s20 =	sadd.s32 s7, s5  }
0xf: {  	s7 =	simm.s32 $0x5;
	s4 =	sadd.s32 s3, s0;
	s3 =	sadd.s32 $0xF42E00, s0  }
0x10: {  	s0 =	ssub.s32 s6, s19;
	s6 =	sadd.s32 s1, s20;
	s19 =	simm.s32 $0xAE80  }
0x11: {  	s20 =	simm.s32 $0x150;
	s4 =	sadd.s32 $0xA00, s4;
	s5 =	smax.u32 s0, $0x1  }
.LBB2_1:
0x12: {  	[tilespmem:s2], [sflag:$0x5] =	stream.linear.gather [hbm4b:s4+s2], $0x7000, $0x38;
	[tilespmem:$0x13800] =	vst v63  }
0x13: {  	_ =	swait.ge [sflag:s7], $0x7000  }
0x14: {  	[sflag:s7] =	ssyncset.done $0x0  }
0x15: {  	[sflag:s7] =	ssyncadd.s32 $0xFFFF9000  }
0x16: {  	[tilespmem:s9], [sflag:$0x1] =	stream.indirect.gather [hbm4b:s3+s8], $0x40, s2, s8, $0xb8;
	[tilespmem:$0x13800] =	vst v63  }
0x17: {  	s0 =	simm.s32 $0x38;
	s1 =	simm.s32 $0x7C80  }
0x18: {  	[tilespmem:s1], [sflag:$0x1] =	stream.indirect.gather [hbm4b:s3+s8], $0x40, s0, s8, $0xb8;
	[tilespmem:$0x13800] =	vst v63  }
0x19: {  	s17 =	simm.s32 $0x70;
	s18 =	simm.s32 $0x8900  }
0x1a: {  	[tilespmem:s18], [sflag:$0x1] =	stream.indirect.gather [hbm4b:s3+s8], $0x40, s17, s8, $0xb8;
	[tilespmem:$0x13800] =	vst v63  }
0x1b: {  	s10 =	simm.s32 $0x9580;
	s1 =	simm.s32 $0xA8  }
0x1c: {  	[tilespmem:s10], [sflag:$0x1] =	stream.indirect.gather [hbm4b:s3+s8], $0x40, s1, s8, $0xb8;
	[tilespmem:$0x13800] =	vst v63  }
0x1d: {  	s11 =	simm.s32 $0xE0;
	s12 =	simm.s32 $0xA200  }
0x1e: {  	[tilespmem:s12], [sflag:$0x1] =	stream.indirect.gather [hbm4b:s3+s8], $0x40, s11, s8, $0xb8;
	[tilespmem:$0x13800] =	vst v63  }
0x1f: {  	s13 =	simm.s32 $0x118  }
0x20: {  	[tilespmem:s19], [sflag:$0x1] =	stream.indirect.gather [hbm4b:s3+s8], $0x40, s13, s8, $0xb8;
	[tilespmem:$0x13800] =	vst v63  }
0x21: {  	p0 =	por $0x1, $0x1  }
0x22: {  	[tilespmem:s21], [sflag:$0x1] =	stream.indirect.gather [hbm4b:s3+s8], $0x40, s20, s8, $0xb8;
	[tilespmem:$0x13800] =	vst v63  }
0x23: {  	s0 =	simm.s32 @!p0 $0x4  }
0x24: {  	[tilespmem:s23], [sflag:$0x1] =	stream.indirect.gather [hbm4b:s3+s8], $0x40, s22, s8, $0xb8;
	[tilespmem:$0x13800] =	vst v63  }
0x25: {  	_ =	swait.ge @!p0 [sflag:s0], $0x6400  }
0x26: {  	[sflag:s0] =	ssyncset.done @!p0 $0x0  }
0x27: {  	s14 =	simm.s32 $0x1C0;
	[sflag:s0] =	ssyncadd.s32 @!p0 $0xFFFF9C00  }
0x28: {  	[tilespmem:s24], [sflag:$0x2] =	stream.indirect.gather [hbm4b:s3+s8], $0x40, s14, s8, $0xb8;
	[tilespmem:$0x13800] =	vst v63  }
0x29: {  	s16 =	simm.s32 $0x1F8;
	s15 =	rddreg [dreg:$0x3]  }
0x2a: {  	[tilespmem:s15], [sflag:$0x2] =	stream.indirect.gather [hbm4b:s3+s8], $0x40, s16, s8, $0xb8;
	[tilespmem:$0x13800] =	vst v63  }
0x2b: {  	s17 =	simm.s32 $0x230;
	s10 =	rddreg [dreg:$0x4]  }
0x2c: {  	[tilespmem:s10], [sflag:$0x2] =	stream.indirect.gather [hbm4b:s3+s8], $0x40, s17, s8, $0xb8;
	[tilespmem:$0x13800] =	vst v63  }
0x2d: {  	s18 =	rddreg [dreg:$0x5];
	s10 =	simm.s32 $0x268  }
0x2e: {  	[tilespmem:s18], [sflag:$0x2] =	stream.indirect.gather [hbm4b:s3+s8], $0x40, s10, s8, $0xb8;
	[tilespmem:$0x13800] =	vst v63  }
0x2f: {  	s12 =	simm.s32 $0x2A0;
	s11 =	rddreg [dreg:$0x6]  }
0x30: {  	[tilespmem:s11], [sflag:$0x2] =	stream.indirect.gather [hbm4b:s3+s8], $0x40, s12, s8, $0xb8;
	[tilespmem:$0x13800] =	vst v63  }
0x31: {  	s13 =	rddreg [dreg:$0x7];
	s14 =	simm.s32 $0x2D8  }
0x32: {  	[tilespmem:s13], [sflag:$0x2] =	stream.indirect.gather [hbm4b:s3+s8], $0x40, s14, s8, $0xb8;
	[tilespmem:$0x13800] =	vst v63  }
0x33: {  	s15 =	rddreg [dreg:$0x8];
	s16 =	simm.s32 $0x310  }
0x34: {  	[tilespmem:s15], [sflag:$0x2] =	stream.indirect.gather [hbm4b:s3+s8], $0x40, s16, s8, $0xb8;
	[tilespmem:$0x13800] =	vst v63  }
0x35: {  	s17 =	rddreg [dreg:$0x9];
	s18 =	simm.s32 $0x348  }
0x36: {  	[tilespmem:s17], [sflag:$0x2] =	stream.indirect.gather [hbm4b:s3+s8], $0x40, s18, s8, $0xb8;
	[tilespmem:$0x13800] =	vst v63  }
0x37: {  	_ =	swait.ge [sflag:s25], $0xC80  }
0x38: {  	[sflag:s25] =	ssyncset.done $0x0  }
0x39: {  	[sflag:s25] =	ssyncadd.s32 $0xFFFFF380  }
0x3a: {  	_ =	swait.ge [sflag:s25], $0xC80  }
0x3b: {  	[sflag:s25] =	ssyncset.done $0x0  }
0x3c: {  	[sflag:s25] =	ssyncadd.s32 $0xFFFFF380  }
0x3d: {  	_ =	swait.ge [sflag:s25], $0xC80  }
0x3e: {  	[sflag:s25] =	ssyncset.done $0x0  }
0x3f: {  	[sflag:s25] =	ssyncadd.s32 $0xFFFFF380  }
0x40: {  	_ =	swait.ge [sflag:s25], $0xC80  }
0x41: {  	[sflag:s25] =	ssyncset.done $0x0  }
0x42: {  	[sflag:s25] =	ssyncadd.s32 $0xFFFFF380  }
0x43: {  	_ =	swait.ge [sflag:s25], $0xC80  }
0x44: {  	[sflag:s25] =	ssyncset.done $0x0  }
0x45: {  	[sflag:s25] =	ssyncadd.s32 $0xFFFFF380  }
0x46: {  	_ =	swait.ge [sflag:s25], $0xC80  }
0x47: {  	[sflag:s25] =	ssyncset.done $0x0  }
0x48: {  	[sflag:s25] =	ssyncadd.s32 $0xFFFFF380  }
0x49: {  	_ =	swait.ge [sflag:s25], $0xC80  }
0x4a: {  	[sflag:s25] =	ssyncset.done $0x0  }
0x4b: {  	[sflag:s25] =	ssyncadd.s32 $0xFFFFF380  }
0x4c: {  	_ =	swait.ge [sflag:s25], $0xC80  }
0x4d: {  	[sflag:s25] =	ssyncset.done $0x0  }
0x4e: {  	[sflag:s25] =	ssyncadd.s32 $0xFFFFF380  }
0x4f: {  	[hbm4b:s6+s2] =	stream.linear.scatter [tilespmem:s9], [sflag:$0x3], $0x6400, $0x38;
	[tilespmem:$0x13800] =	vst v63  }
0x50: {  	p0 =	por $0x0, $0x0;
	_ =	swait.ge [sflag:s26], $0x6400  }
0x51: {  	s0 =	simm.s32 @!p0 $0x7000;
	[sflag:s26] =	ssyncset.done $0x0  }
0x52: {  	s1 =	simm.s32 @!p0 $0x380;
	s10 =	simm.s32 @!p0 $0x32;
	[sflag:s26] =	ssyncadd.s32 $0xFFFF9C00  }
0x53: {  	[tilespmem:s0], [sflag:$0x1] =	stream.indirect.gather @!p0 [hbm4b:s3+s10], $0x40, s1, s10, $0xb8;
	[tilespmem:$0x13800] =	vst v63  }
0x54: {  	s0 =	simm.s32 @!p0 $0x3B8;
	s1 =	simm.s32 @!p0 $0x7C80  }
0x55: {  	[tilespmem:s1], [sflag:$0x1] =	stream.indirect.gather @!p0 [hbm4b:s3+s10], $0x40, s0, s10, $0xb8;
	[tilespmem:$0x13800] =	vst v63  }
0x56: {  	s0 =	simm.s32 @!p0 $0x3F0;
	s1 =	simm.s32 @!p0 $0x8900  }
0x57: {  	[tilespmem:s1], [sflag:$0x1] =	stream.indirect.gather @!p0 [hbm4b:s3+s10], $0x40, s0, s10, $0xb8;
	[tilespmem:$0x13800] =	vst v63  }
0x58: {  	s0 =	simm.s32 @!p0 $0x428;
	s1 =	simm.s32 @!p0 $0x9580  }
0x59: {  	[tilespmem:s1], [sflag:$0x1] =	stream.indirect.gather @!p0 [hbm4b:s3+s10], $0x40, s0, s10, $0xb8;
	[tilespmem:$0x13800] =	vst v63  }
0x5a: {  	s0 =	simm.s32 @!p0 $0x460;
	s1 =	simm.s32 @!p0 $0xA200  }
0x5b: {  	[tilespmem:s1], [sflag:$0x1] =	stream.indirect.gather @!p0 [hbm4b:s3+s10], $0x40, s0, s10, $0xb8;
	[tilespmem:$0x13800] =	vst v63  }
0x5c: {  	s0 =	simm.s32 @!p0 $0x498;
	s1 =	simm.s32 @!p0 $0xAE80  }
0x5d: {  	[tilespmem:s1], [sflag:$0x1] =	stream.indirect.gather @!p0 [hbm4b:s3+s10], $0x40, s0, s10, $0xb8;
	[tilespmem:$0x13800] =	vst v63  }
0x5e: {  	s0 =	simm.s32 @!p0 $0x4D0;
	s1 =	simm.s32 @!p0 $0xBB00  }
0x5f: {  	[tilespmem:s1], [sflag:$0x1] =	stream.indirect.gather @!p0 [hbm4b:s3+s10], $0x40, s0, s10, $0xb8;
	[tilespmem:$0x13800] =	vst v63  }
0x60: {  	s0 =	simm.s32 @!p0 $0x508;
	s1 =	simm.s32 @!p0 $0xC780  }
0x61: {  	[tilespmem:s1], [sflag:$0x1] =	stream.indirect.gather @!p0 [hbm4b:s3+s10], $0x40, s0, s10, $0xb8;
	[tilespmem:$0x13800] =	vst v63  }
0x62: {  	_ =	swait.ge [sflag:s28], $0xC80  }
0x63: {  	[sflag:s28] =	ssyncset.done $0x0  }
0x64: {  	[sflag:s28] =	ssyncadd.s32 $0xFFFFF380  }
0x65: {  	_ =	swait.ge [sflag:s28], $0xC80  }
0x66: {  	[sflag:s28] =	ssyncset.done $0x0  }
0x67: {  	[sflag:s28] =	ssyncadd.s32 $0xFFFFF380  }
0x68: {  	_ =	swait.ge [sflag:s28], $0xC80  }
0x69: {  	[sflag:s28] =	ssyncset.done $0x0  }
0x6a: {  	[sflag:s28] =	ssyncadd.s32 $0xFFFFF380  }
0x6b: {  	_ =	swait.ge [sflag:s28], $0xC80  }
0x6c: {  	[sflag:s28] =	ssyncset.done $0x0  }
0x6d: {  	[sflag:s28] =	ssyncadd.s32 $0xFFFFF380  }
0x6e: {  	_ =	swait.ge [sflag:s28], $0xC80  }
0x6f: {  	[sflag:s28] =	ssyncset.done $0x0  }
0x70: {  	[sflag:s28] =	ssyncadd.s32 $0xFFFFF380  }
0x71: {  	_ =	swait.ge [sflag:s28], $0xC80  }
0x72: {  	[sflag:s28] =	ssyncset.done $0x0  }
0x73: {  	[sflag:s28] =	ssyncadd.s32 $0xFFFFF380  }
0x74: {  	_ =	swait.ge [sflag:s28], $0xC80  }
0x75: {  	[sflag:s28] =	ssyncset.done $0x0  }
0x76: {  	s31 =	sadd.s32 $0x1900, s6;
	p1 =	por $0x0, $0x0;
	[sflag:s28] =	ssyncadd.s32 $0xFFFFF380  }
0x77: {  	s13 =	sadd.s32 $0xC80, s6;
	s0 =	simm.s32 $0xE00;
	_ =	swait.ge [sflag:s28], $0xC80  }
0x78: {  	s10 =	simm.s32 $0x1C00;
	s1 =	simm.s32 $0x3;
	[sflag:s28] =	ssyncset.done $0x0  }
.LBB2_2:
0x79: {  	s14 =	simm.s32 @!p1 $0x4;
	[sflag:s28] =	ssyncadd.s32 $0xFFFFF380  }
0x7a: {  	[hbm4b:s13+s2] =	stream.linear.scatter [tilespmem:s24], [sflag:$0x4], $0x6400, $0x38;
	[tilespmem:$0x13800] =	vst v63  }
0x7b: {  	_ =	swait.ge @!p1 [sflag:s14], $0x6400  }
0x7c: {  	s13 =	sshra.s32 s0, $0x2;
	[sflag:s14] =	ssyncset.done @!p1 $0x0  }
0x7d: {  	s16 =	sadd.s32 $0x1C0, s13;
	[sflag:s14] =	ssyncadd.s32 @!p1 $0xFFFF9C00  }
0x7e: {  	[tilespmem:s24], [sflag:$0x2] =	stream.indirect.gather [hbm4b:s3+s8], $0x40, s16, s8, $0xb8;
	[tilespmem:$0x13800] =	vst v63  }
0x7f: {  	s17 =	sadd.s32 $0x1F8, s13;
	s15 =	rddreg [dreg:$0x3]  }
0x80: {  	[tilespmem:s15], [sflag:$0x2] =	stream.indirect.gather [hbm4b:s3+s8], $0x40, s17, s8, $0xb8;
	[tilespmem:$0x13800] =	vst v63  }
0x81: {  	s18 =	sadd.s32 $0x230, s13;
	s16 =	rddreg [dreg:$0x4]  }
0x82: {  	[tilespmem:s16], [sflag:$0x2] =	stream.indirect.gather [hbm4b:s3+s8], $0x40, s18, s8, $0xb8;
	[tilespmem:$0x13800] =	vst v63  }
0x83: {  	s15 =	rddreg [dreg:$0x5];
	s17 =	sadd.s32 $0x268, s13  }
0x84: {  	[tilespmem:s15], [sflag:$0x2] =	stream.indirect.gather [hbm4b:s3+s8], $0x40, s17, s8, $0xb8;
	[tilespmem:$0x13800] =	vst v63  }
0x85: {  	s18 =	rddreg [dreg:$0x6];
	s15 =	sadd.s32 $0x2A0, s13  }
0x86: {  	[tilespmem:s18], [sflag:$0x2] =	stream.indirect.gather [hbm4b:s3+s8], $0x40, s15, s8, $0xb8;
	[tilespmem:$0x13800] =	vst v63  }
0x87: {  	s17 =	rddreg [dreg:$0x7];
	s18 =	sadd.s32 $0x2D8, s13  }
0x88: {  	[tilespmem:s17], [sflag:$0x2] =	stream.indirect.gather [hbm4b:s3+s8], $0x40, s18, s8, $0xb8;
	[tilespmem:$0x13800] =	vst v63  }
0x89: {  	s16 =	rddreg [dreg:$0x8];
	s17 =	sadd.s32 $0x310, s13  }
0x8a: {  	[tilespmem:s16], [sflag:$0x2] =	stream.indirect.gather [hbm4b:s3+s8], $0x40, s17, s8, $0xb8;
	[tilespmem:$0x13800] =	vst v63  }
0x8b: {  	s18 =	rddreg [dreg:$0x9];
	s13 =	sadd.s32 $0x348, s13  }
0x8c: {  	[tilespmem:s18], [sflag:$0x2] =	stream.indirect.gather [hbm4b:s3+s8], $0x40, s13, s8, $0xb8;
	[tilespmem:$0x13800] =	vst v63  }
0x8d: {  	_ =	swait.ge [sflag:s25], $0xC80  }
0x8e: {  	[sflag:s25] =	ssyncset.done $0x0  }
0x8f: {  	[sflag:s25] =	ssyncadd.s32 $0xFFFFF380  }
0x90: {  	_ =	swait.ge [sflag:s25], $0xC80  }
0x91: {  	[sflag:s25] =	ssyncset.done $0x0  }
0x92: {  	[sflag:s25] =	ssyncadd.s32 $0xFFFFF380  }
0x93: {  	_ =	swait.ge [sflag:s25], $0xC80  }
0x94: {  	[sflag:s25] =	ssyncset.done $0x0  }
0x95: {  	[sflag:s25] =	ssyncadd.s32 $0xFFFFF380  }
0x96: {  	_ =	swait.ge [sflag:s25], $0xC80  }
0x97: {  	[sflag:s25] =	ssyncset.done $0x0  }
0x98: {  	[sflag:s25] =	ssyncadd.s32 $0xFFFFF380  }
0x99: {  	_ =	swait.ge [sflag:s25], $0xC80  }
0x9a: {  	[sflag:s25] =	ssyncset.done $0x0  }
0x9b: {  	[sflag:s25] =	ssyncadd.s32 $0xFFFFF380  }
0x9c: {  	_ =	swait.ge [sflag:s25], $0xC80  }
0x9d: {  	[sflag:s25] =	ssyncset.done $0x0  }
0x9e: {  	[sflag:s25] =	ssyncadd.s32 $0xFFFFF380  }
0x9f: {  	_ =	swait.ge [sflag:s25], $0xC80  }
0xa0: {  	[sflag:s25] =	ssyncset.done $0x0  }
0xa1: {  	[sflag:s25] =	ssyncadd.s32 $0xFFFFF380  }
0xa2: {  	_ =	swait.ge [sflag:s25], $0xC80  }
0xa3: {  	[sflag:s25] =	ssyncset.done $0x0  }
0xa4: {  	p1 =	sgt.u32 s1, $0x3E;
	[sflag:s25] =	ssyncadd.s32 $0xFFFFF380  }
0xa5: {  	[hbm4b:s31+s2] =	stream.linear.scatter [tilespmem:s9], [sflag:$0x3], $0x6400, $0x38;
	[tilespmem:$0x13800] =	vst v63  }
0xa6: {  	s0 =	sshra.s32 @!p1 s0, $0x2;
	_ =	swait.ge [sflag:s26], $0x6400  }
0xa7: {  	s14 =	sadd.s32 @!p1 $0x380, s0;
	[sflag:s26] =	ssyncset.done $0x0  }
0xa8: {  	s15 =	simm.s32 @!p1 $0x32;
	s13 =	simm.s32 @!p1 $0x7000;
	[sflag:s26] =	ssyncadd.s32 $0xFFFF9C00  }
0xa9: {  	[tilespmem:s13], [sflag:$0x1] =	stream.indirect.gather @!p1 [hbm4b:s3+s15], $0x40, s14, s15, $0xb8;
	[tilespmem:$0x13800] =	vst v63  }
0xaa: {  	s13 =	sadd.s32 @!p1 $0x3B8, s0;
	s14 =	simm.s32 @!p1 $0x7C80  }
0xab: {  	[tilespmem:s14], [sflag:$0x1] =	stream.indirect.gather @!p1 [hbm4b:s3+s15], $0x40, s13, s15, $0xb8;
	[tilespmem:$0x13800] =	vst v63  }
0xac: {  	s12 =	smov.u32 s10;
	s16 =	sadd.s32 @!p1 $0x3F0, s0;
	s13 =	simm.s32 @!p1 $0x8900  }
0xad: {  	[tilespmem:s13], [sflag:$0x1] =	stream.indirect.gather @!p1 [hbm4b:s3+s15], $0x40, s16, s15, $0xb8;
	[tilespmem:$0x13800] =	vst v63  }
0xae: {  	s17 =	sadd.s32 @!p1 $0x460, s0;
	s14 =	sadd.s32 @!p1 $0x428, s0;
	s13 =	simm.s32 @!p1 $0x9580  }
0xaf: {  	[tilespmem:s13], [sflag:$0x1] =	stream.indirect.gather @!p1 [hbm4b:s3+s15], $0x40, s14, s15, $0xb8;
	[tilespmem:$0x13800] =	vst v63  }
0xb0: {  	s18 =	sadd.s32 @!p1 $0x4D0, s0;
	s16 =	sadd.s32 @!p1 $0x498, s0;
	s13 =	simm.s32 @!p1 $0xA200  }
0xb1: {  	[tilespmem:s13], [sflag:$0x1] =	stream.indirect.gather @!p1 [hbm4b:s3+s15], $0x40, s17, s15, $0xb8;
	[tilespmem:$0x13800] =	vst v63  }
0xb2: {  	s14 =	sadd.s32 @!p1 $0x508, s0;
	s0 =	smov.u32 s12;
	s12 =	simm.s32 @!p1 $0xAE80  }
0xb3: {  	[tilespmem:s12], [sflag:$0x1] =	stream.indirect.gather @!p1 [hbm4b:s3+s15], $0x40, s16, s15, $0xb8;
	[tilespmem:$0x13800] =	vst v63  }
0xb4: {  	s12 =	simm.s32 @!p1 $0xBB00  }
0xb5: {  	[tilespmem:s12], [sflag:$0x1] =	stream.indirect.gather @!p1 [hbm4b:s3+s15], $0x40, s18, s15, $0xb8;
	[tilespmem:$0x13800] =	vst v63  }
0xb6: {  	s12 =	simm.s32 @!p1 $0xC780  }
0xb7: {  	[tilespmem:s12], [sflag:$0x1] =	stream.indirect.gather @!p1 [hbm4b:s3+s15], $0x40, s14, s15, $0xb8;
	[tilespmem:$0x13800] =	vst v63  }
0xb8: {  	_ =	swait.ge [sflag:s28], $0xC80  }
0xb9: {  	[sflag:s28] =	ssyncset.done $0x0  }
0xba: {  	[sflag:s28] =	ssyncadd.s32 $0xFFFFF380  }
0xbb: {  	_ =	swait.ge [sflag:s28], $0xC80  }
0xbc: {  	[sflag:s28] =	ssyncset.done $0x0  }
0xbd: {  	[sflag:s28] =	ssyncadd.s32 $0xFFFFF380  }
0xbe: {  	_ =	swait.ge [sflag:s28], $0xC80  }
0xbf: {  	[sflag:s28] =	ssyncset.done $0x0  }
0xc0: {  	[sflag:s28] =	ssyncadd.s32 $0xFFFFF380  }
0xc1: {  	_ =	swait.ge [sflag:s28], $0xC80  }
0xc2: {  	[sflag:s28] =	ssyncset.done $0x0  }
0xc3: {  	[sflag:s28] =	ssyncadd.s32 $0xFFFFF380  }
0xc4: {  	_ =	swait.ge [sflag:s28], $0xC80  }
0xc5: {  	[sflag:s28] =	ssyncset.done $0x0  }
0xc6: {  	[sflag:s28] =	ssyncadd.s32 $0xFFFFF380  }
0xc7: {  	_ =	swait.ge [sflag:s28], $0xC80  }
0xc8: {  	s10 =	sadd.s32 $0xE00, s10;
	[sflag:s28] =	ssyncset.done $0x0  }
0xc9: {  	p0 =	sne.s32 s10, $0x1C000;
	[sflag:s28] =	ssyncadd.s32 $0xFFFFF380  }
.Ltmp0:
0xca: {  	_ =	swait.ge [sflag:s28], $0xC80;
	(pc) =	sbr.rel @p0 .LBB2_2-.Ltmp0, $4  }
0xcb: {  	[sflag:s28] =	ssyncset.done $0x0  }
0xcc: {  	s11 =	smov.u32 s31;
	[sflag:s28] =	ssyncadd.s32 $0xFFFFF380  }
0xcd: {  	s1 =	sadd.s32 $0x2, s1;
	s31 =	sadd.s32 $0x1900, s31;
	_ =	swait.ge [sflag:s28], $0xC80  }
0xce: {  	s13 =	sadd.s32 $0xC80, s11;
	p1 =	seq.s32 s0, $0x0;
	[sflag:s28] =	ssyncset.done $0x0  }
0xcf: {  	s10 =	simm.s32 @!p1 $0x4;
	[sflag:s28] =	ssyncadd.s32 $0xFFFFF380  }
0xd0: {  	[hbm4b:s13+s2] =	stream.linear.scatter [tilespmem:s24], [sflag:$0x4], $0x6400, $0x38;
	[tilespmem:$0x13800] =	vst v63  }
0xd1: {  	_ =	swait.ge @!p1 [sflag:s10], $0x6400  }
0xd2: {  	s11 =	sshra.s32 s0, $0x2;
	[sflag:s10] =	ssyncset.done @!p1 $0x0  }
0xd3: {  	s16 =	sadd.s32 $0x1C0, s11;
	[sflag:s10] =	ssyncadd.s32 @!p1 $0xFFFF9C00  }
0xd4: {  	[tilespmem:s24], [sflag:$0x2] =	stream.indirect.gather [hbm4b:s3+s8], $0x40, s16, s8, $0xb8;
	[tilespmem:$0x13800] =	vst v63  }
0xd5: {  	s17 =	sadd.s32 $0x1F8, s11;
	s12 =	rddreg [dreg:$0x3]  }
0xd6: {  	[tilespmem:s12], [sflag:$0x2] =	stream.indirect.gather [hbm4b:s3+s8], $0x40, s17, s8, $0xb8;
	[tilespmem:$0x13800] =	vst v63  }
0xd7: {  	s18 =	rddreg [dreg:$0x4];
	s12 =	sadd.s32 $0x230, s11  }
0xd8: {  	[tilespmem:s18], [sflag:$0x2] =	stream.indirect.gather [hbm4b:s3+s8], $0x40, s12, s8, $0xb8;
	[tilespmem:$0x13800] =	vst v63  }
0xd9: {  	s15 =	sadd.s32 $0x268, s11;
	s14 =	rddreg [dreg:$0x5]  }
0xda: {  	[tilespmem:s14], [sflag:$0x2] =	stream.indirect.gather [hbm4b:s3+s8], $0x40, s15, s8, $0xb8;
	[tilespmem:$0x13800] =	vst v63  }
0xdb: {  	s16 =	rddreg [dreg:$0x6];
	s17 =	sadd.s32 $0x2A0, s11  }
0xdc: {  	[tilespmem:s16], [sflag:$0x2] =	stream.indirect.gather [hbm4b:s3+s8], $0x40, s17, s8, $0xb8;
	[tilespmem:$0x13800] =	vst v63  }
0xdd: {  	s18 =	rddreg [dreg:$0x7];
	s14 =	sadd.s32 $0x2D8, s11  }
0xde: {  	[tilespmem:s18], [sflag:$0x2] =	stream.indirect.gather [hbm4b:s3+s8], $0x40, s14, s8, $0xb8;
	[tilespmem:$0x13800] =	vst v63  }
0xdf: {  	s15 =	rddreg [dreg:$0x8];
	s16 =	sadd.s32 $0x310, s11  }
0xe0: {  	[tilespmem:s15], [sflag:$0x2] =	stream.indirect.gather [hbm4b:s3+s8], $0x40, s16, s8, $0xb8;
	[tilespmem:$0x13800] =	vst v63  }
0xe1: {  	s17 =	rddreg [dreg:$0x9];
	s18 =	sadd.s32 $0x348, s11  }
0xe2: {  	[tilespmem:s17], [sflag:$0x2] =	stream.indirect.gather [hbm4b:s3+s8], $0x40, s18, s8, $0xb8;
	[tilespmem:$0x13800] =	vst v63  }
0xe3: {  	_ =	swait.ge [sflag:s25], $0xC80  }
0xe4: {  	[sflag:s25] =	ssyncset.done $0x0  }
0xe5: {  	[sflag:s25] =	ssyncadd.s32 $0xFFFFF380  }
0xe6: {  	_ =	swait.ge [sflag:s25], $0xC80  }
0xe7: {  	[sflag:s25] =	ssyncset.done $0x0  }
0xe8: {  	[sflag:s25] =	ssyncadd.s32 $0xFFFFF380  }
0xe9: {  	_ =	swait.ge [sflag:s25], $0xC80  }
0xea: {  	[sflag:s25] =	ssyncset.done $0x0  }
0xeb: {  	[sflag:s25] =	ssyncadd.s32 $0xFFFFF380  }
0xec: {  	_ =	swait.ge [sflag:s25], $0xC80  }
0xed: {  	[sflag:s25] =	ssyncset.done $0x0  }
0xee: {  	[sflag:s25] =	ssyncadd.s32 $0xFFFFF380  }
0xef: {  	_ =	swait.ge [sflag:s25], $0xC80  }
0xf0: {  	[sflag:s25] =	ssyncset.done $0x0  }
0xf1: {  	[sflag:s25] =	ssyncadd.s32 $0xFFFFF380  }
0xf2: {  	_ =	swait.ge [sflag:s25], $0xC80  }
0xf3: {  	[sflag:s25] =	ssyncset.done $0x0  }
0xf4: {  	[sflag:s25] =	ssyncadd.s32 $0xFFFFF380  }
0xf5: {  	_ =	swait.ge [sflag:s25], $0xC80  }
0xf6: {  	[sflag:s25] =	ssyncset.done $0x0  }
0xf7: {  	[sflag:s25] =	ssyncadd.s32 $0xFFFFF380  }
0xf8: {  	_ =	swait.ge [sflag:s25], $0xC80  }
0xf9: {  	[sflag:s25] =	ssyncset.done $0x0  }
0xfa: {  	[sflag:s25] =	ssyncadd.s32 $0xFFFFF380  }
0xfb: {  	[hbm4b:s31+s2] =	stream.linear.scatter [tilespmem:s9], [sflag:$0x3], $0x6400, $0x38;
	[tilespmem:$0x13800] =	vst v63  }
0xfc: {  	p0 =	sgt.u32 s1, $0x3E;
	_ =	swait.ge [sflag:s26], $0x6400  }
0xfd: {  	s0 =	sshra.s32 @!p0 s0, $0x2;
	s1 =	simm.s32 @!p0 $0x7000;
	[sflag:s26] =	ssyncset.done $0x0  }
0xfe: {  	s10 =	sadd.s32 @!p0 $0x380, s0;
	s11 =	simm.s32 @!p0 $0x32;
	[sflag:s26] =	ssyncadd.s32 $0xFFFF9C00  }
0xff: {  	[tilespmem:s1], [sflag:$0x1] =	stream.indirect.gather @!p0 [hbm4b:s3+s11], $0x40, s10, s11, $0xb8;
	[tilespmem:$0x13800] =	vst v63  }
0x100: {  	s1 =	sadd.s32 @!p0 $0x3B8, s0;
	s10 =	simm.s32 @!p0 $0x7C80  }
0x101: {  	[tilespmem:s10], [sflag:$0x1] =	stream.indirect.gather @!p0 [hbm4b:s3+s11], $0x40, s1, s11, $0xb8;
	[tilespmem:$0x13800] =	vst v63  }
0x102: {  	s1 =	sadd.s32 @!p0 $0x3F0, s0;
	s10 =	simm.s32 @!p0 $0x8900  }
0x103: {  	[tilespmem:s10], [sflag:$0x1] =	stream.indirect.gather @!p0 [hbm4b:s3+s11], $0x40, s1, s11, $0xb8;
	[tilespmem:$0x13800] =	vst v63  }
0x104: {  	s1 =	sadd.s32 @!p0 $0x428, s0;
	s10 =	simm.s32 @!p0 $0x9580  }
0x105: {  	[tilespmem:s10], [sflag:$0x1] =	stream.indirect.gather @!p0 [hbm4b:s3+s11], $0x40, s1, s11, $0xb8;
	[tilespmem:$0x13800] =	vst v63  }
0x106: {  	s1 =	sadd.s32 @!p0 $0x460, s0;
	s10 =	simm.s32 @!p0 $0xA200  }
0x107: {  	[tilespmem:s10], [sflag:$0x1] =	stream.indirect.gather @!p0 [hbm4b:s3+s11], $0x40, s1, s11, $0xb8;
	[tilespmem:$0x13800] =	vst v63  }
0x108: {  	s1 =	sadd.s32 @!p0 $0x498, s0;
	s10 =	simm.s32 @!p0 $0xAE80  }
0x109: {  	[tilespmem:s10], [sflag:$0x1] =	stream.indirect.gather @!p0 [hbm4b:s3+s11], $0x40, s1, s11, $0xb8;
	[tilespmem:$0x13800] =	vst v63  }
0x10a: {  	s1 =	sadd.s32 @!p0 $0x4D0, s0;
	s10 =	simm.s32 @!p0 $0xBB00  }
0x10b: {  	[tilespmem:s10], [sflag:$0x1] =	stream.indirect.gather @!p0 [hbm4b:s3+s11], $0x40, s1, s11, $0xb8;
	[tilespmem:$0x13800] =	vst v63  }
0x10c: {  	s0 =	sadd.s32 @!p0 $0x508, s0;
	s1 =	simm.s32 @!p0 $0xC780  }
0x10d: {  	[tilespmem:s1], [sflag:$0x1] =	stream.indirect.gather @!p0 [hbm4b:s3+s11], $0x40, s0, s11, $0xb8;
	[tilespmem:$0x13800] =	vst v63  }
0x10e: {  	_ =	swait.ge [sflag:s28], $0xC80  }
0x10f: {  	[sflag:s28] =	ssyncset.done $0x0  }
0x110: {  	[sflag:s28] =	ssyncadd.s32 $0xFFFFF380  }
0x111: {  	_ =	swait.ge [sflag:s28], $0xC80  }
0x112: {  	[sflag:s28] =	ssyncset.done $0x0  }
0x113: {  	[sflag:s28] =	ssyncadd.s32 $0xFFFFF380  }
0x114: {  	_ =	swait.ge [sflag:s28], $0xC80  }
0x115: {  	[sflag:s28] =	ssyncset.done $0x0  }
0x116: {  	[sflag:s28] =	ssyncadd.s32 $0xFFFFF380  }
0x117: {  	_ =	swait.ge [sflag:s28], $0xC80  }
0x118: {  	[sflag:s28] =	ssyncset.done $0x0  }
0x119: {  	[sflag:s28] =	ssyncadd.s32 $0xFFFFF380  }
0x11a: {  	_ =	swait.ge [sflag:s28], $0xC80  }
0x11b: {  	[sflag:s28] =	ssyncset.done $0x0  }
0x11c: {  	[sflag:s28] =	ssyncadd.s32 $0xFFFFF380  }
0x11d: {  	_ =	swait.ge [sflag:s28], $0xC80  }
0x11e: {  	[sflag:s28] =	ssyncset.done $0x0  }
0x11f: {  	[sflag:s28] =	ssyncadd.s32 $0xFFFFF380  }
0x120: {  	_ =	swait.ge [sflag:s28], $0xC80  }
0x121: {  	[sflag:s28] =	ssyncset.done $0x0  }
0x122: {  	[sflag:s28] =	ssyncadd.s32 $0xFFFFF380  }
0x123: {  	s30 =	sadd.s32 $0x1, s30;
	_ =	swait.ge [sflag:s28], $0xC80  }
0x124: {  	p0 =	sne.s32 s30, s5;
	[sflag:s28] =	ssyncset.done $0x0  }
.Ltmp1:
0x125: {  	s31 =	sadd.s32 $0xC80, s31;
	[sflag:s28] =	ssyncadd.s32 $0xFFFFF380;
	(pc) =	sbr.rel @p0 .LBB2_1-.Ltmp1, $4  }
0x126: {  	[hbm4b:s31+s2] =	stream.linear.scatter [tilespmem:s24], [sflag:$0x4], $0x6400, $0x38;
	[tilespmem:$0x13800] =	vst v63  }
0x127: {  	_ =	swait.ge [sflag:s29], $0x6400  }
0x128: {  	[sflag:s29] =	ssyncset.done $0x0  }
0x129: {  	[sflag:s29] =	ssyncadd.s32 $0xFFFF9C00  }
0x12a: {  	_ =	sfence.sel $0x180000  }
0x12b: {  	[bflag:$0x0] =	sbarrier.arrive $0xFFFF  }
0x12c: {  	_ =	strace $0x90000047  }
0x12d: {  	s0 =	stileid.u32;
	[bflag:$0x2] =	sbarrier.arrive $0xFFFF  }
0x12e: {  	p0 =	sne.s32 s0, $0x0;
	s0 =	rddreg [dreg:$0x2]  }
0x12f: {  	s0 =	sadd.s32 @!p0 $0x100000, s0  }
0x130: {  	[sflag:s0] =	ssyncadd.tile.s32 @!p0 $0x1;
	_ =	shalt  }
.Lfunc_end2:
_tile_overlayer_lowered:
.L_overlay_start_2:
0x131: {  	(tag) =	ssettag $0x2  }
0x132: {  	s0 =	rddreg [dreg:$0x0];
	s2 =	stileid.u32  }
0x133: {  	s1 =	rddreg [dreg:$0x1];
	p0 =	sne.s32 s2, $0x0  }
0x134: {  	s3 =	rddreg [dreg:$0x2];
	[bflag:$0x3] =	sbarrier.arrive $0xFFFF;
	s2 =	simm.s32 @!p0 $0x1C05  }
0x135: {  	[timem:s3], [sflag:s2] =	dma.local @!p0 [hbm:s0], s1  }
0x136: {  	s0 =	simm.s32 @!p0 $0x5  }
0x137: {  	_ =	swait.ge @!p0 [sflag:s0], s1  }
0x138: {  	s1 =	ssub.s32 @!p0 $0x0, s1;
	[sflag:s0] =	ssyncset.done @!p0 $0x0  }
0x139: {  	[sflag:s0] =	ssyncadd.s32 @!p0 s1  }
0x13a: {  	[bflag:$0x3] =	sbarrier.arrive $0xFFFF  }
0x13b: {  	_ =	shalt  }

// kernel: sparse-core-data-format-call.cloned.1.call-start
scs
called_computation_lowered:
.L_overlay_start_0:
0x0: {  	s2 =	sld [smem:$0x3FD9]  }
0x1: {  	s3 =	sld [smem:$0x3FFE];
	_ =	sdelay $0x1  }
0x2: {  	s1 =	srdreg.scid  }
0x3: {  	s0 =	sand.u32 $0x1, s1  }
0x4: {  	s18 =	sshll.u32 s0, $0xA;
	s2 =	sadd.s32 s3, s2  }
0x5: {  	s2 =	sadd.s32 s2, s18  }
0x6: {  	[smem:$0x3FC6] =	sst s2  }
0x7: {  	_ = 	snop  }
0x8: {  	s2 =	sld [smem:$0x3FD0];
	(tm) =	ssettm $0x1  }
0x9: {  	s19 =	sld [smem:$0x3FFB];
	_ =	sdelay $0x3  }
0xa: {  	_ =	strace s19  }
0xb: {  	s3 =	sld [smem:$0x3FFC];
	_ =	sdelay $0x3  }
0xc: {  	_ =	strace s3  }
0xd: {  	s3 =	sld [smem:$0x3FFD];
	_ =	sdelay $0x3  }
0xe: {  	_ =	strace s3  }
0xf: {  	_ =	strace $0x8FFFFFFF  }
0x10: {  	s20 =	sld [smem:$0x3FDB];
	_ =	sdelay $0x1  }
0x11: {  	s4 =	simm.s32 $_scs_section_size  }
0x12: {  	s5 =	simm.s32 $_size__tile_overlayer_lowered;
	s6 =	simm.s32 $_tile_overlayer_lowered  }
0x13: {  	s23 =	simm.s32 $0x1BFF;
	s22 =	sshll.u32 s6, $0x1;
	s3 =	sadd.s32 s4, s20  }
0x14: {  	s7 =	simm.s32 $0x0;
	s21 =	sshll.u32 s5, $0x1;
	s5 =	sadd.s32 s22, s3  }
0x15: {  	[timem:s7], [sflag:s23] =	dma.local [hbm:s5], s21  }
0x16: {  	_ =	swait.ge [sflag:s23], s21  }
0x17: {  	s4 =	ssub.s32 $0x0, s21;
	[sflag:s23] =	ssyncset.done $0x0  }
0x18: {  	[sflag:s23] =	ssyncadd.s32 s4;
	_ =	sdelay $0x1  }
0x19: {  	s24 =	simm.s32 $0x1B8B  }
0x1a: {  	_ =	swait.ge [sflag:s24], $0x1  }
0x1b: {  	[sflag:s24] =	ssyncset.done $0x0  }
0x1c: {  	s26 =	simm.s32 $0x1B8E;
	s25 =	sld [smem:$0x3FFE];
	[sflag:s24] =	ssyncadd.s32 $0xFFFFFFFF  }
0x1d: {  	s27 =	simm.s32 $execute0_lowered;
	[smem:$0x3FD2] =	sst s26  }
0x1e: {  	s5 =	sshll.u32 s27, $0x1;
	_ =	strace $0x80000049;
	[dreg:$0x1] =	wrdreg $0xFFFFFFFF  }
0x1f: {  	s28 =	simm.s32 $_size_execute0_lowered;
	s3 =	sadd.s32 s3, s5;
	[dreg:$0x0] =	wrdreg $0x0  }
0x20: {  	s5 =	sshll.u32 s28, $0x1;
	[dreg:$0x2] =	wrdreg s3  }
0x21: {  	[dreg:$0x3] =	wrdreg s5  }
0x22: {  	[dreg:$0x4] =	wrdreg $0xC0  }
0x23: {  	_ =	task [dreg:s7], $0x5FFFF  }
0x24: {  	[dreg:$0x1] =	wrdreg $0xFFFFFFFF  }
0x25: {  	[dreg:$0x0] =	wrdreg $0x60  }
0x26: {  	[dreg:$0x2] =	wrdreg s25  }
0x27: {  	[dreg:$0x3] =	wrdreg s2  }
0x28: {  	[dreg:$0x4] =	wrdreg $0x9  }
0x29: {  	_ =	task.clear_ibuf [dreg:s7], $0x5FFFF;
	_ =	strace $0x90000049  }
0x2a: {  	s29 =	simm.s32 $0x9;
	_ =	strace $0x8000004B  }
0x2b: {  	_ =	swait.ge [sflag:s29], $0x1  }
0x2c: {  	[sflag:s29] =	ssyncadd.s32 $0xFFFFFFFF  }
0x2d: {  	_ =	strace $0x9000004B  }
0x2e: {  	_ =	sfence  }
0x2f: {  	s30 =	sld [smem:$0x0];
	_ =	sdelay $0x2  }
0x30: {  	s31 =	sshll.u32 s1, $0xD;
	s1 =	sshrl.u32 s1, $0x2  }
0x31: {  	s3 =	sand.u32 $0x4000, s31;
	s1 =	sadd.s32 s1, s30  }
0x32: {  	s0 =	sor.u32 s3, s0;
	s1 =	sshll.u32 s1, $0x11  }
0x33: {  	s0 =	sor.u32 s1, s0  }
0x34: {  	s0 =	sadd.s32 $0x8F2B, s0  }
0x35: {  	[sflag:s0] =	ssyncadd.remote.s32 $0x1  }
0x36: {  	_ =	sfence.sel $0xFFFF  }
0x37: {  	[dreg:$0x0] =	wrdreg $0xFFFFFFFF;
	(pc) =	sbr.abs _section_cstart, $3  }
0x38: {  	[dreg:$0x1] =	wrdreg $0xFFFFFFFF  }
0x39: {  	_ =	task.clear_ibuf [dreg:s7], $0x2FFFF;
	_ =	strace $0x9FFFFFFF  }
0x3a: {  	(tm) =	ssettm $0x7FFFFFFF  }
0x3b: {  	_ =	shalt  }
tec
execute0_lowered:
.L_overlay_start_1:
0x0: {  	(tag) =	ssettag $0x1  }
0x1: {  	s0 =	srdreg.scid  }
0x2: {  	s1 =	sshll.u32 s0, $0x4  }
0x3: {  	s0 =	stileid.u32;
	s1 =	sand.u32 $0x10, s1  }
0x4: {  	s1 =	sor.u32 s0, s1  }
0x5: {  	s6 =	rddreg [dreg:$0x0];
	s4 =	simm.s32 $0x1;
	s2 =	sshll.u32 s1, $0x7  }
0x6: {  	s7 =	simm.s32 $0x2;
	s12 =	simm.s32 $0x0;
	s1 =	ssub.s32 $0x4000, s2  }
0x7: {  	s8 =	simm.s32 $0x20000;
	s13 =	simm.s32 $0x0;
	s3 =	sand.u32 $0xF80, s1  }
0x8: {  	s9 =	simm.s32 $0x0;
	s5 =	sshrl.u32 s1, $0xC;
	p0 =	sne.s32 s3, $0x0  }
.Ltmp0:
0x9: {  	s1 =	rddreg [dreg:$0x2];
	s4 =	simm.s32 @!p0 $0x0;
	(pc) =	sbr.rel .LBB1_1-.Ltmp0, $4  }
0xa: {  	s11 =	simm.s32 $0x0;
	s3 =	rddreg [dreg:$0x1];
	s5 =	sadd.s32 s4, s5  }
0xb: {  	_ =	strace $0x8000004A;
	s4 =	simm.s32 $0x1;
	s5 =	smul.u32 $0x32, s5  }
0xc: {  	s6 =	sadd.s32 $0xA00, s6;
	s10 =	smov.u32 s2;
	[sflag:s4] =	ssyncpa.u1 $0x0  }
0xd: {  	p0 =	por $0x0, $0x0;
	[sflag:s7] =	ssyncpa.u1 $0x0;
	s7 =	sor.u32 $0x1, s5  }
.LBB1_4:
0xe: {  	s16 =	sshll.u32 s13, $0x3;
	s17 =	sand.u32 $0x78, s13  }
0xf: {  	s30 =	sand.u32 $0x1F800, s13;
	s12 =	sshll.u32 s12, $0x11;
	s16 =	sand.u32 $0x3C00, s16  }
0x10: {  	[tilespmem:s15+$0x810 ss:$0x81] =	vst.msk $0xffff, v2;
	s31 =	sand.u32 $0x7, s13;
	s16 =	sor.u32 s17, s16;
	s17 =	sadd.s32 s3, s30  }
0x11: {  	[tilespmem:s15+$0x1020 ss:$0x81] =	vst.msk $0xffff, v0;
	s13 =	sshll.u32 s31, $0x12;
	s12 =	sadd.s32 s12, s17;
	s16 =	sshrl.u32 s16, $0x3  }
0x12: {  	[tilespmem:s15+$0x0 ss:$0x81] =	vst.msk $0xffff, v1;
	s13 =	sor.u32 $0x400, s13;
	s12 =	sadd.s32 s16, s12  }
0x13: {  	[hbm4b:s12+s13] =	stream.strided.scatter [tilespmem:s14], [sflag:$0x2], $0x2000, s8, s13, $0x20;
	[tilespmem:$0x8080] =	vst v63  }
.LBB1_5:
0x14: {  	s14 =	sadd.s32 $0x1, s9  }
0x15: {  	s12 =	sadd.s32 $0x1000, s10;
	s16 =	smov.u32 s10;
	p2 =	sgt.s32 s14, $0x31  }
0x16: {  	s16 =	smov.u32 @p2 s12  }
0x17: {  	s14 =	simm.s32 @p2 $0x0;
	p2 =	sgt.s32 s16, $0x3FFF  }
0x18: {  	s16 =	smov.u32 @p2 s2;
	p2 =	sne.s32 s11, s7  }
.Ltmp1:
0x19: {  	p1 =	slt.u32 s11, $0x2;
	(pc) =	sbr.rel @!p2 .LBB1_6-.Ltmp1, $4  }
0x1a: {  	s15 =	simm.s32 @!p1 $0x2  }
0x1b: {  	s13 =	smov.u32 s10;
	p0 =	por !p0, !p0;
	_ =	swait.ge @!p1 [sflag:s15], $0x2000  }
0x1c: {  	s12 =	smov.u32 s9;
	[sflag:s15] =	ssyncset.done @!p1 $0x0;
	s9 =	smov.u32 s14  }
0x1d: {  	s11 =	sadd.s32 $0x1, s11;
	[sflag:s15] =	ssyncadd.s32 @!p1 $0xFFFFE000;
	s10 =	smov.u32 s16  }
.LBB1_1:
0x1e: {  	p1 =	sge.u32 s11, s5  }
0x1f: {  	s14 =	sand.u32 @!p1 $0x1FFFFFF, s9  }
0x20: {  	s15 =	smulhi.u32 @!p1 $0x4924925, s14;
	_ =	sdelay $0x1  }
0x21: {  	s15 =	smul.u32 @!p1 $0x38, s15  }
0x22: {  	s16 =	sxor.u32 @!p1 $0xFFFFFFFF, s11;
	s17 =	smul.u32 @!p1 $0x380, s10  }
0x23: {  	s31 =	sadd.s32 $0xFFFFFFFF, s11;
	s16 =	sshll.u32 @!p1 s16, $0xD;
	s14 =	ssub.s32 @!p1 s14, s15  }
0x24: {  	s15 =	sand.u32 @!p1 $0x2000, s16;
	s16 =	sadd.s32 @!p1 s6, s17;
	s14 =	sshll.u32 @!p1 s14, $0x4  }
0x25: {  	s17 =	simm.s32 @!p1 $0x1C00;
	s14 =	sadd.s32 @!p1 s14, s16;
	s16 =	simm.s32 @!p1 $0x40  }
0x26: {  	[tilespmem:s15], [sflag:$0x1] =	stream.strided.gather @!p1 [hbm4b:s14+s16], $0x2000, s17, s16, $0x38;
	[tilespmem:$0x8080] =	vst v63  }
0x27: {  	p1 =	sge.u32 s31, s5  }
.Ltmp2:
0x28: {  	_ = 	snop;
	(pc) =	sbr.rel @p1 .LBB1_5-.Ltmp2, $1  }
0x29: {  	_ =	sdelay $0x3  }
0x2a: {  	s14 =	simm.s32 $0x1  }
0x2b: {  	_ =	swait.ge [sflag:s4], $0x2000;
	s14 =	simm.s32 @!p0 $0x0  }
0x2c: {  	[sflag:s4] =	ssyncset.done $0x0;
	s15 =	sshll.u32 s14, $0xD  }
0x2d: {  	[sflag:s4] =	ssyncadd.s32 $0xFFFFE000;
	s18 =	sor.u32 $0x20, s15  }
0x2e: {  	s14 =	smul.u32 $0x8100, s14;
	v3 =	vld [tilespmem:s18+$0x10]  }
0x2f: {  	s30 =	sand.u32 $0x1, s11;
	v2 =	vld [tilespmem:s18+$0xFFFFFFF0]  }
0x30: {  	s15 =	smul.u32 $0x8100, s30;
	s14 =	sshrl.u32 s14, $0x2;
	v0 =	vld [tilespmem:s18+$0x0]  }
0x31: {  	v1 =	vld [tilespmem:s18+$0xFFFFFFE0];
	s16 =	sor.u32 $0x4000, s14  }
0x32: {  	s31 =	sshrl.u32 s15, $0x2;
	s15 =	sadd.s32 $0x0, s16  }
0x33: {  	s17 =	simm.s32 $0x4;
	s18 =	sadd.s32 $0x40, s18;
	s14 =	sor.u32 $0x4000, s31;
	[tilespmem:s15+$0x1830 ss:$0x81] =	vst.msk $0xffff, v3  }
.LBB1_3:
0x34: {  	v3 =	vld [tilespmem:s18+$0x10];
	p1 =	sne.s32 s17, $0x1FC;
	[tilespmem:s15+$0x810 ss:$0x81] =	vst.msk $0xffff, v2;
	s19 =	smov.u32 s17;
	s17 =	sadd.s32 $0x4, s17  }
.Ltmp3:
0x35: {  	v2 =	vld [tilespmem:s18+$0xFFFFFFF0];
	[tilespmem:s15+$0x1020 ss:$0x81] =	vst.msk $0xffff, v0;
	(pc) =	sbr.rel @p1 .LBB1_3-.Ltmp3, $4  }
0x36: {  	v0 =	vld [tilespmem:s18+$0x0];
	[tilespmem:s15+$0x0 ss:$0x81] =	vst.msk $0xffff, v1  }
0x37: {  	s15 =	sshra.s32 s19, $0x2;
	v1 =	vld [tilespmem:s18+$0xFFFFFFE0]  }
0x38: {  	s15 =	sadd.s32 s15, s16  }
0x39: {  	s18 =	sadd.s32 $0x40, s18;
	[tilespmem:s15+$0x1830 ss:$0x81] =	vst.msk $0xffff, v3  }
.Ltmp4:
0x3a: {  	_ = 	snop;
	(pc) =	sbr.rel .LBB1_4-.Ltmp4, $1  }
0x3b: {  	_ =	sdelay $0x3  }
.LBB1_6:
0x3c: {  	_ =	sfence.sel $0x180000  }
0x3d: {  	s2 =	simm.s32 $0x1;
	[bflag:$0x0] =	sbarrier.arrive $0xFFFF  }
0x3e: {  	s31 =	simm.s32 $0x2;
	[sflag:s2] =	ssyncpa.u1 $0x1  }
0x3f: {  	[sflag:s31] =	ssyncpa.u1 $0x1  }
0x40: {  	p0 =	sne.s32 s0, $0x0;
	_ =	strace $0x9000004A  }
0x41: {  	s0 =	sadd.s32 @!p0 $0x100000, s1;
	[bflag:$0x2] =	sbarrier.arrive $0xFFFF  }
0x42: {  	[sflag:s0] =	ssyncadd.tile.s32 @!p0 $0x1;
	_ =	shalt  }
.Lfunc_end1:
_tile_overlayer_lowered:
.L_overlay_start_2:
0x43: {  	(tag) =	ssettag $0x2  }
0x44: {  	s0 =	rddreg [dreg:$0x0];
	s2 =	stileid.u32  }
0x45: {  	s1 =	rddreg [dreg:$0x1];
	p0 =	sne.s32 s2, $0x0  }
0x46: {  	s3 =	rddreg [dreg:$0x2];
	[bflag:$0x3] =	sbarrier.arrive $0xFFFF;
	s2 =	simm.s32 @!p0 $0x1C01  }
0x47: {  	[timem:s3], [sflag:s2] =	dma.local @!p0 [hbm:s0], s1  }
0x48: {  	s0 =	simm.s32 @!p0 $0x1  }
0x49: {  	_ =	swait.ge @!p0 [sflag:s0], s1  }
0x4a: {  	s1 =	ssub.s32 @!p0 $0x0, s1;
	[sflag:s0] =	ssyncset.done @!p0 $0x0  }
0x4b: {  	[sflag:s0] =	ssyncadd.s32 @!p0 s1  }
0x4c: {  	[bflag:$0x3] =	sbarrier.arrive $0xFFFF  }
0x4d: {  	_ =	shalt  }

</sc_bundles>
